<compile_context>
chip_gen: v7x
topology: tpu7x:2x2x1
jax: 0.10.2.dev20260603
libtpu: 0.0.44.dev20260713+nightly
codegen_flags: <defaults>
</compile_context>

<pallas_src>
import functools

import jax
import jax.numpy as jnp
from jax import lax
from jax.experimental import pallas as pl
from jax.experimental.pallas import tpu as pltpu
from jax.experimental.pallas import tpu_sc as plsc

EMBED_DIM = 16
NROWS = 2000000
FIELD_OFFSET = 1000000
NUM_WORKERS = 32
LANE_TILES = NROWS // 128
CHUNK = 128


def _table_phys_flat(table):
    t = table.T.reshape(2, 8, LANE_TILES, 128)
    return t.transpose(0, 2, 1, 3).reshape(-1)


def _sc_gather_t(u_ids, it_ids, tflat):
    B = u_ids.shape[0]
    per_w = B // NUM_WORKERS
    n_planes = 2 * EMBED_DIM
    n_words = per_w * n_planes
    n_chunks = n_words // CHUNK
    chunks_per_plane = per_w // CHUNK
    col_tiles = B // 128
    mesh = plsc.VectorSubcoreMesh(core_axis_name="c", subcore_axis_name="s")

    @functools.partial(
        pl.kernel,
        mesh=mesh,
        out_type=jax.ShapeDtypeStruct((B * n_planes // 128, 128), jnp.float32),
        compiler_params=pltpu.CompilerParams(
            use_tc_tiling_on_sc=False, needs_layout_passes=False),
        scratch_types=[
            pltpu.VMEM((2, per_w), jnp.int32),
            pltpu.VMEM((2, per_w), jnp.int32),
            pltpu.VMEM((n_words,), jnp.int32),
            pltpu.VMEM((n_planes, per_w), jnp.float32),
            pltpu.VMEM((n_words,), jnp.float32),
            pltpu.SemaphoreType.DMA,
            pltpu.SemaphoreType.DMA,
        ],
    )
    def k(u_hbm, it_hbm, table_hbm, out_hbm, x_v, rp_v, w_idx, rows_v,
          drain_v, sem, osem):
        wid = lax.axis_index("s") * 2 + lax.axis_index("c")
        row0 = wid * per_w
        pltpu.sync_copy(u_hbm.at[pl.ds(row0, per_w)], x_v.at[0, :])
        pltpu.sync_copy(it_hbm.at[pl.ds(row0, per_w)], x_v.at[1, :])

        def build_rp(g, _):
            sl = pl.ds(g * 16, 16)
            for f in range(2):
                r16 = x_v[f, sl] + f * FIELD_OFFSET
                rp_v[f, sl] = ((r16 >> 7) << 10) + (r16 & 127)
            return 0

        lax.fori_loop(0, per_w // 16, build_rp, 0)

        def fire(c, _):
            p = c // chunks_per_plane
            b0 = (c % chunks_per_plane) * CHUNK
            f = p // EMBED_DIM
            j = p % EMBED_DIM
            jconst = (j // 8) * (LANE_TILES * 1024) + (j % 8) * 128
            for g in range(CHUNK // 16):
                sl = pl.ds(b0 + g * 16, 16)
                w_idx[pl.ds(c * CHUNK + g * 16, 16)] = rp_v[f, sl] + jconst
            pltpu.async_copy(
                table_hbm.at[w_idx.at[pl.ds(c * CHUNK, CHUNK)]],
                rows_v.at[p, pl.ds(b0, CHUNK)],
                sem,
            )
            return 0

        lax.fori_loop(0, n_chunks, fire, 0)
        pltpu.make_async_copy(
            table_hbm.at[pl.ds(0, n_words)], drain_v, sem
        ).wait()

        out_copies = []
        for R in range(n_planes // 8):
            for c in range(per_w // 128):
                t = R * col_tiles + wid * (per_w // 128) + c
                out_copies.append(pltpu.async_copy(
                    rows_v.at[pl.ds(8 * R, 8), pl.ds(128 * c, 128)],
                    out_hbm.at[pl.ds(8 * t, 8), :],
                    osem,
                ))
        for cpy in out_copies:
            cpy.wait()

    return k(u_ids, it_ids, tflat)


def _tc_mlp_t(embT, w1t, b1c, w2t, b2c, w3t, b3c, wg, wh, bfc):
    B = embT.shape[1]
    blk = B
    grid = (B // blk,)

    def body(e_ref, w1_ref, b1_ref, w2_ref, b2_ref, w3_ref, b3_ref,
             wg_ref, wh_ref, bfc_ref, o_ref):
        e = e_ref[...]
        h = jnp.maximum(
            jnp.dot(w1_ref[...], e, preferred_element_type=jnp.float32)
            + b1_ref[...], 0.0)
        h = jnp.maximum(
            jnp.dot(w2_ref[...], h, preferred_element_type=jnp.float32)
            + b2_ref[...], 0.0)
        h = jnp.maximum(
            jnp.dot(w3_ref[...], h, preferred_element_type=jnp.float32)
            + b3_ref[...], 0.0)
        gmf = e[:EMBED_DIM, :] * e[EMBED_DIM:, :]
        out = (jnp.dot(wg_ref[...], gmf, preferred_element_type=jnp.float32)
               + jnp.dot(wh_ref[...], h, preferred_element_type=jnp.float32)
               + bfc_ref[0])
        o_ref[...] = out[0]

    rep = lambda shape: pl.BlockSpec(shape, lambda i: tuple(0 for _ in shape))
    return pl.pallas_call(
        body,
        grid=grid,
        in_specs=[
            pl.BlockSpec((embT.shape[0], blk), lambda i: (0, i)),
            rep(w1t.shape),
            rep(b1c.shape),
            rep(w2t.shape),
            rep(b2c.shape),
            rep(w3t.shape),
            rep(b3c.shape),
            rep(wg.shape),
            rep(wh.shape),
            rep((1,)),
        ],
        out_specs=pl.BlockSpec((blk,), lambda i: (i,)),
        out_shape=jax.ShapeDtypeStruct((B,), jnp.float32),
    )(embT, w1t, b1c, w2t, b2c, w3t, b3c, wg, wh, bfc)


def kernel(x, table, W1, b1, W2, b2, W3, b3, Wfc, bfc):
    B = x.shape[0]
    x32 = x.astype(jnp.int32)
    out2d = _sc_gather_t(x32[:, 0], x32[:, 1], _table_phys_flat(table))
    embT = (out2d.reshape(4, B // 128, 8, 128)
            .transpose(0, 2, 1, 3)
            .reshape(2 * EMBED_DIM, B))
    return _tc_mlp_t(
        embT,
        W1.T, b1.reshape(-1, 1),
        W2.T, b2.reshape(-1, 1),
        W3.T, b3.reshape(-1, 1),
        Wfc[:EMBED_DIM, :].T, Wfc[EMBED_DIM:, :].T, bfc,
    )

# --- scband reference (transcript-rebuilt; emitter-appended) ---
"""Pipeline reference for scband-neural-collaborative-filtering-5918464934493 (READ-ONLY COPY).

The authoritative reference and input builder live on the scoring server;
editing this copy changes nothing except your own understanding.
"""

import jax, jax.numpy as jnp
import numpy as np

FIELD_DIMS = [1000000, 1000000]
EMBED_DIM = 16
BATCH = 16384
MLP_DIMS = [64, 32, 16]


def setup_inputs(seed: int = 0) -> dict:
    key = jax.random.key(seed)
    ks = jax.random.split(key, 12)
    x = jax.random.randint(ks[0], (BATCH, 2), 0, 1000000, dtype=jnp.int64)
    total_rows = sum(FIELD_DIMS)
    table = jax.random.normal(ks[1], (total_rows, EMBED_DIM), dtype=jnp.float32) * 0.01
    embed_out = len(FIELD_DIMS) * EMBED_DIM  # 32
    W1 = jax.random.normal(ks[2], (embed_out, MLP_DIMS[0]), dtype=jnp.float32) * (1.0 / np.sqrt(embed_out))
    b1 = jnp.zeros((MLP_DIMS[0],), dtype=jnp.float32)
    W2 = jax.random.normal(ks[3], (MLP_DIMS[0], MLP_DIMS[1]), dtype=jnp.float32) * (1.0 / np.sqrt(MLP_DIMS[0]))
    b2 = jnp.zeros((MLP_DIMS[1],), dtype=jnp.float32)
    W3 = jax.random.normal(ks[4], (MLP_DIMS[1], MLP_DIMS[2]), dtype=jnp.float32) * (1.0 / np.sqrt(MLP_DIMS[1]))
    b3 = jnp.zeros((MLP_DIMS[2],), dtype=jnp.float32)
    Wfc = jax.random.normal(ks[5], (MLP_DIMS[2] + EMBED_DIM, 1), dtype=jnp.float32) * (1.0 / np.sqrt(MLP_DIMS[2] + EMBED_DIM))
    bfc = jnp.zeros((1,), dtype=jnp.float32)
    return {"x": x, "table": table, "W1": W1, "b1": b1, "W2": W2, "b2": b2, "W3": W3, "b3": b3, "Wfc": Wfc, "bfc": bfc}


def reference(x, table, W1, b1, W2, b2, W3, b3, Wfc, bfc):
    offsets = jnp.array([0] + list(np.cumsum(FIELD_DIMS)[:-1]), dtype=x.dtype)
    idx = x + offsets[None, :]
    emb = jnp.take(table, idx, axis=0)  # [B, 2, D]
    user_x = emb[:, 0, :]
    item_x = emb[:, 1, :]
    gmf = user_x * item_x
    h = emb.reshape(emb.shape[0], -1)  # [B, 2*D]
    h = jax.nn.relu(h @ W1 + b1)
    h = jax.nn.relu(h @ W2 + b2)
    h = jax.nn.relu(h @ W3 + b3)
    cat = jnp.concatenate([gmf, h], axis=1)
    out = (cat @ Wfc + bfc).squeeze(1)
    return out

if __name__ == "__main__":
    import jax
    _d = setup_inputs()
    print(jax.jit(kernel)(*tuple(_d.values())))

</pallas_src>

<mosaic_0001>
#map = affine_map<(d0, d1) -> (0)>
#map1 = affine_map<(d0, d1) -> (0, 0)>
module attributes {stable_mosaic.version = 14 : i64} {
  func.func @k(%arg0: i32, %arg1: i32, %arg2: memref<16384xi32, #tpu.memory_space<hbm>>, %arg3: memref<16384xi32, #tpu.memory_space<hbm>>, %arg4: memref<32000000xf32, #tpu.memory_space<hbm>>, %arg5: memref<4096x128xf32, #tpu.memory_space<hbm>>, %arg6: memref<2x512xi32, #tpu.memory_space<vmem>>, %arg7: memref<2x512xi32, #tpu.memory_space<vmem>>, %arg8: memref<16384xi32, #tpu.memory_space<vmem>>, %arg9: memref<32x512xf32, #tpu.memory_space<vmem>>, %arg10: memref<16384xf32, #tpu.memory_space<vmem>>, %arg11: memref<!tpu.dma_semaphore, #tpu.memory_space<semaphore_mem>>, %arg12: memref<!tpu.dma_semaphore, #tpu.memory_space<semaphore_mem>>) attributes {dimension_semantics = [#tpu.dimension_semantics<core_parallel>, #tpu.dimension_semantics<subcore_parallel>], iteration_bounds = array<i64: 2, 16>, scalar_prefetch = 0 : i64, scratch_operands = 7 : i64, tpu.core_type = #tpu.core_type<sc_vector_subcore>, window_params = [{transform_indices = #map}, {transform_indices = #map}, {transform_indices = #map}, {transform_indices = #map1}]} {
    %mul3A = arith.constant 2 : i32
    %mul3A_0 = arith.muli %arg1, %mul3A : i32
    %add3A = arith.addi %mul3A_0, %arg0 : i32
    %mul3A_1 = arith.constant 512 : i32
    %mul3A_2 = arith.muli %add3A, %mul3A_1 : i32
    %run_scoped3A = arith.constant 0 : i32
    "tpu.region"() ({
      %run_scoped3A_467 = tpu.sem_alloc : memref<!tpu.dma_semaphore, #tpu.memory_space<semaphore_mem>>
      %dma_start3A_468 = arith.constant 0 : i32
      %dma_start3A_469 = tpu.memref_slice %arg6[%run_scoped3A, %dma_start3A_468] : memref<2x512xi32, #tpu.memory_space<vmem>> -> memref<1x512xi32, #tpu.memory_space<vmem>>
      %dma_start3A_470 = tpu.memref_squeeze %dma_start3A_469 : memref<1x512xi32, #tpu.memory_space<vmem>> -> memref<512xi32, #tpu.memory_space<vmem>>
      %dma_start3A_471 = tpu.memref_slice %arg2[%mul3A_2] : memref<16384xi32, #tpu.memory_space<hbm>> -> memref<512xi32, #tpu.memory_space<hbm>>
      %dma_start3A_472 = arith.constant 0 : i32
      %dma_start3A_473 = tpu.memref_slice %arg6[%run_scoped3A, %dma_start3A_472] : memref<2x512xi32, #tpu.memory_space<vmem>> -> memref<1x512xi32, #tpu.memory_space<vmem>>
      %dma_start3A_474 = tpu.memref_squeeze %dma_start3A_473 : memref<1x512xi32, #tpu.memory_space<vmem>> -> memref<512xi32, #tpu.memory_space<vmem>>
      %dma_start3A_475 = tpu.memref_slice %arg2[%mul3A_2] : memref<16384xi32, #tpu.memory_space<hbm>> -> memref<512xi32, #tpu.memory_space<hbm>>
      tpu.enqueue_dma source(%dma_start3A_475 : memref<512xi32, #tpu.memory_space<hbm>>) target(%dma_start3A_474 : memref<512xi32, #tpu.memory_space<vmem>>) target_semaphore(%run_scoped3A_467 : memref<!tpu.dma_semaphore, #tpu.memory_space<semaphore_mem>>)
      %dma_wait3A_476 = arith.constant 0 : i32
      %dma_wait3A_477 = tpu.memref_slice %arg6[%run_scoped3A, %dma_wait3A_476] : memref<2x512xi32, #tpu.memory_space<vmem>> -> memref<1x512xi32, #tpu.memory_space<vmem>>
      %dma_wait3A_478 = tpu.memref_squeeze %dma_wait3A_477 : memref<1x512xi32, #tpu.memory_space<vmem>> -> memref<512xi32, #tpu.memory_space<vmem>>
      %dma_wait3A_479 = tpu.memref_slice %arg2[%mul3A_2] : memref<16384xi32, #tpu.memory_space<hbm>> -> memref<512xi32, #tpu.memory_space<hbm>>
      %dma_wait3A_480 = arith.constant 0 : i32
      %dma_wait3A_481 = tpu.memref_slice %arg6[%run_scoped3A, %dma_wait3A_480] : memref<2x512xi32, #tpu.memory_space<vmem>> -> memref<1x512xi32, #tpu.memory_space<vmem>>
      %dma_wait3A_482 = tpu.memref_squeeze %dma_wait3A_481 : memref<1x512xi32, #tpu.memory_space<vmem>> -> memref<512xi32, #tpu.memory_space<vmem>>
      %dma_wait3A_483 = tpu.memref_slice %arg2[%mul3A_2] : memref<16384xi32, #tpu.memory_space<hbm>> -> memref<512xi32, #tpu.memory_space<hbm>>
      tpu.wait_dma2 semaphore(%run_scoped3A_467 : memref<!tpu.dma_semaphore, #tpu.memory_space<semaphore_mem>>) src(%dma_wait3A_483 : memref<512xi32, #tpu.memory_space<hbm>>) dst(%dma_wait3A_482 : memref<512xi32, #tpu.memory_space<vmem>>)
      tpu.yield
    }) : () -> ()
    %run_scoped3A_3 = arith.constant 1 : i32
    "tpu.region"() ({
      %run_scoped3A_467 = tpu.sem_alloc : memref<!tpu.dma_semaphore, #tpu.memory_space<semaphore_mem>>
      %dma_start3A_468 = arith.constant 0 : i32
      %dma_start3A_469 = tpu.memref_slice %arg6[%run_scoped3A_3, %dma_start3A_468] : memref<2x512xi32, #tpu.memory_space<vmem>> -> memref<1x512xi32, #tpu.memory_space<vmem>>
      %dma_start3A_470 = tpu.memref_squeeze %dma_start3A_469 : memref<1x512xi32, #tpu.memory_space<vmem>> -> memref<512xi32, #tpu.memory_space<vmem>>
      %dma_start3A_471 = tpu.memref_slice %arg3[%mul3A_2] : memref<16384xi32, #tpu.memory_space<hbm>> -> memref<512xi32, #tpu.memory_space<hbm>>
      %dma_start3A_472 = arith.constant 0 : i32
      %dma_start3A_473 = tpu.memref_slice %arg6[%run_scoped3A_3, %dma_start3A_472] : memref<2x512xi32, #tpu.memory_space<vmem>> -> memref<1x512xi32, #tpu.memory_space<vmem>>
      %dma_start3A_474 = tpu.memref_squeeze %dma_start3A_473 : memref<1x512xi32, #tpu.memory_space<vmem>> -> memref<512xi32, #tpu.memory_space<vmem>>
      %dma_start3A_475 = tpu.memref_slice %arg3[%mul3A_2] : memref<16384xi32, #tpu.memory_space<hbm>> -> memref<512xi32, #tpu.memory_space<hbm>>
      tpu.enqueue_dma source(%dma_start3A_475 : memref<512xi32, #tpu.memory_space<hbm>>) target(%dma_start3A_474 : memref<512xi32, #tpu.memory_space<vmem>>) target_semaphore(%run_scoped3A_467 : memref<!tpu.dma_semaphore, #tpu.memory_space<semaphore_mem>>)
      %dma_wait3A_476 = arith.constant 0 : i32
      %dma_wait3A_477 = tpu.memref_slice %arg6[%run_scoped3A_3, %dma_wait3A_476] : memref<2x512xi32, #tpu.memory_space<vmem>> -> memref<1x512xi32, #tpu.memory_space<vmem>>
      %dma_wait3A_478 = tpu.memref_squeeze %dma_wait3A_477 : memref<1x512xi32, #tpu.memory_space<vmem>> -> memref<512xi32, #tpu.memory_space<vmem>>
      %dma_wait3A_479 = tpu.memref_slice %arg3[%mul3A_2] : memref<16384xi32, #tpu.memory_space<hbm>> -> memref<512xi32, #tpu.memory_space<hbm>>
      %dma_wait3A_480 = arith.constant 0 : i32
      %dma_wait3A_481 = tpu.memref_slice %arg6[%run_scoped3A_3, %dma_wait3A_480] : memref<2x512xi32, #tpu.memory_space<vmem>> -> memref<1x512xi32, #tpu.memory_space<vmem>>
      %dma_wait3A_482 = tpu.memref_squeeze %dma_wait3A_481 : memref<1x512xi32, #tpu.memory_space<vmem>> -> memref<512xi32, #tpu.memory_space<vmem>>
      %dma_wait3A_483 = tpu.memref_slice %arg3[%mul3A_2] : memref<16384xi32, #tpu.memory_space<hbm>> -> memref<512xi32, #tpu.memory_space<hbm>>
      tpu.wait_dma2 semaphore(%run_scoped3A_467 : memref<!tpu.dma_semaphore, #tpu.memory_space<semaphore_mem>>) src(%dma_wait3A_483 : memref<512xi32, #tpu.memory_space<hbm>>) dst(%dma_wait3A_482 : memref<512xi32, #tpu.memory_space<vmem>>)
      tpu.yield
    }) : () -> ()
    %scan3A = arith.constant 0 : i32
    %scan3A_4 = arith.constant 0 : i32
    %scan3A_5 = arith.constant 32 : i32
    %scan3A_6 = arith.addi %scan3A_4, %scan3A_5 : i32
    %scan3A_7 = arith.constant 1 : i32
    %scan3A_8 = scf.for %scan3A_467 = %scan3A_4 to %scan3A_6 step %scan3A_7 iter_args(%scan3A_468 = %scan3A) -> (i32)  : i32 {
      %mul3A_469 = arith.constant 16 : i32
      %mul3A_470 = arith.muli %scan3A_467, %mul3A_469 : i32
      %get3A = arith.constant 0 : i32
      %get3A_471 = arith.index_cast %get3A : i32 to index
      %get3A_472 = arith.index_cast %mul3A_470 : i32 to index
      %get3A_473 = tpu.vector_load %arg6[%get3A_471, %get3A_472] {strides = array<i32>} : memref<2x512xi32, #tpu.memory_space<vmem>>, vector<16xi32>,
      %add3A_474 = arith.constant 0 : i32
      %add3A_475 = vector.broadcast %add3A_474 : i32 to vector<16xi32>
      %add3A_476 = arith.addi %get3A_473, %add3A_475 : vector<16xi32>
      %shift_right_arithmetic3A = arith.constant 7 : i32
      %shift_right_arithmetic3A_477 = vector.broadcast %shift_right_arithmetic3A : i32 to vector<16xi32>
      %shift_right_arithmetic3A_478 = arith.shrsi %add3A_476, %shift_right_arithmetic3A_477 : vector<16xi32>
      %shift_left3A = arith.constant 10 : i32
      %shift_left3A_479 = vector.broadcast %shift_left3A : i32 to vector<16xi32>
      %shift_left3A_480 = arith.shli %shift_right_arithmetic3A_478, %shift_left3A_479 : vector<16xi32>
      %and3A = arith.constant 127 : i32
      %and3A_481 = vector.broadcast %and3A : i32 to vector<16xi32>
      %and3A_482 = arith.andi %add3A_476, %and3A_481 : vector<16xi32>
      %add3A_483 = arith.addi %shift_left3A_480, %and3A_482 : vector<16xi32>
      %swap3A = arith.constant 0 : i32
      %swap3A_484 = arith.index_cast %swap3A : i32 to index
      %swap3A_485 = arith.index_cast %mul3A_470 : i32 to index
      %swap3A_486 = tpu.vector_load %arg7[%swap3A_484, %swap3A_485] {strides = array<i32>} : memref<2x512xi32, #tpu.memory_space<vmem>>, vector<16xi32>,
      tpu.vector_store %arg7[%swap3A_484, %swap3A_485], %add3A_483 {strides = array<i32>} : memref<2x512xi32, #tpu.memory_space<vmem>>, vector<16xi32>,
      %get3A_487 = arith.constant 1 : i32
      %get3A_488 = arith.index_cast %get3A_487 : i32 to index
      %get3A_489 = arith.index_cast %mul3A_470 : i32 to index
      %get3A_490 = tpu.vector_load %arg6[%get3A_488, %get3A_489] {strides = array<i32>} : memref<2x512xi32, #tpu.memory_space<vmem>>, vector<16xi32>,
      %add3A_491 = arith.constant 1000000 : i32
      %add3A_492 = vector.broadcast %add3A_491 : i32 to vector<16xi32>
      %add3A_493 = arith.addi %get3A_490, %add3A_492 : vector<16xi32>
      %shift_right_arithmetic3A_494 = arith.constant 7 : i32
      %shift_right_arithmetic3A_495 = vector.broadcast %shift_right_arithmetic3A_494 : i32 to vector<16xi32>
      %shift_right_arithmetic3A_496 = arith.shrsi %add3A_493, %shift_right_arithmetic3A_495 : vector<16xi32>
      %shift_left3A_497 = arith.constant 10 : i32
      %shift_left3A_498 = vector.broadcast %shift_left3A_497 : i32 to vector<16xi32>
      %shift_left3A_499 = arith.shli %shift_right_arithmetic3A_496, %shift_left3A_498 : vector<16xi32>
      %and3A_500 = arith.constant 127 : i32
      %and3A_501 = vector.broadcast %and3A_500 : i32 to vector<16xi32>
      %and3A_502 = arith.andi %add3A_493, %and3A_501 : vector<16xi32>
      %add3A_503 = arith.addi %shift_left3A_499, %and3A_502 : vector<16xi32>
      %swap3A_504 = arith.constant 1 : i32
      %swap3A_505 = arith.index_cast %swap3A_504 : i32 to index
      %swap3A_506 = arith.index_cast %mul3A_470 : i32 to index
      %swap3A_507 = tpu.vector_load %arg7[%swap3A_505, %swap3A_506] {strides = array<i32>} : memref<2x512xi32, #tpu.memory_space<vmem>>, vector<16xi32>,
      tpu.vector_store %arg7[%swap3A_505, %swap3A_506], %add3A_503 {strides = array<i32>} : memref<2x512xi32, #tpu.memory_space<vmem>>, vector<16xi32>,
      %scan3A_508 = arith.constant 0 : i32
      scf.yield %scan3A_508 : i32
    }
    %scan3A_9 = arith.constant 32 : i32
    %scan3A_10 = arith.constant 0 : i32
    %scan3A_11 = arith.constant 0 : i32
    %scan3A_12 = arith.constant 128 : i32
    %scan3A_13 = arith.addi %scan3A_11, %scan3A_12 : i32
    %scan3A_14 = arith.constant 1 : i32
    %scan3A_15 = scf.for %scan3A_467 = %scan3A_11 to %scan3A_13 step %scan3A_14 iter_args(%scan3A_468 = %scan3A_10) -> (i32)  : i32 {
      %jit3A = arith.constant 4 : i32
      %div3A = arith.divsi %scan3A_467, %jit3A : i32
      %sign3A = arith.constant 0 : i32
      %sign3A_469 = arith.cmpi sgt, %scan3A_467, %sign3A : i32
      %sign3A_470 = arith.extui %sign3A_469 : i1 to i32
      %sign3A_471 = arith.constant 0 : i32
      %sign3A_472 = arith.cmpi slt, %scan3A_467, %sign3A_471 : i32
      %sign3A_473 = arith.extui %sign3A_472 : i1 to i32
      %sign3A_474 = arith.subi %sign3A_470, %sign3A_473 : i32
      %sign3A_475 = arith.constant 0 : i32
      %sign3A_476 = arith.cmpi sgt, %jit3A, %sign3A_475 : i32
      %sign3A_477 = arith.extui %sign3A_476 : i1 to i32
      %sign3A_478 = arith.constant 0 : i32
      %sign3A_479 = arith.cmpi slt, %jit3A, %sign3A_478 : i32
      %sign3A_480 = arith.extui %sign3A_479 : i1 to i32
      %sign3A_481 = arith.subi %sign3A_477, %sign3A_480 : i32
      %ne3A = arith.cmpi ne, %sign3A_474, %sign3A_481 : i32
      %rem3A = arith.remsi %scan3A_467, %jit3A : i32
      %ne3A_482 = arith.constant 0 : i32
      %ne3A_483 = arith.cmpi ne, %rem3A, %ne3A_482 : i32
      %and3A = arith.andi %ne3A, %ne3A_483 : i1
      %sub3A = arith.constant 1 : i32
      %sub3A_484 = arith.subi %div3A, %sub3A : i32
      %select_n3A = arith.select %and3A, %sub3A_484, %div3A : i32
      %jit3A_485 = arith.constant 4 : i32
      %eq3A = arith.constant 0 : i32
      %eq3A_486 = arith.cmpi eq, %jit3A_485, %eq3A : i32
      %jit3A_487 = arith.constant 1 : i32
      %select_n3A_488 = arith.select %eq3A_486, %jit3A_487, %jit3A_485 : i32
      %rem3A_489 = arith.remsi %scan3A_467, %select_n3A_488 : i32
      %ne3A_490 = arith.constant 0 : i32
      %ne3A_491 = arith.cmpi ne, %rem3A_489, %ne3A_490 : i32
      %lt3A = arith.constant 0 : i32
      %lt3A_492 = arith.cmpi slt, %rem3A_489, %lt3A : i32
      %lt3A_493 = arith.constant 0 : i32
      %lt3A_494 = arith.cmpi slt, %select_n3A_488, %lt3A_493 : i32
      %ne3A_495 = arith.xori %lt3A_492, %lt3A_494 : i1
      %and3A_496 = arith.andi %ne3A_495, %ne3A_491 : i1
      %add3A_497 = arith.addi %rem3A_489, %select_n3A_488 : i32
      %select_n3A_498 = arith.select %and3A_496, %add3A_497, %rem3A_489 : i32
      %mul3A_499 = arith.constant 128 : i32
      %mul3A_500 = arith.muli %select_n3A_498, %mul3A_499 : i32
      %jit3A_501 = arith.constant 16 : i32
      %div3A_502 = arith.divsi %select_n3A, %jit3A_501 : i32
      %sign3A_503 = arith.constant 0 : i32
      %sign3A_504 = arith.cmpi sgt, %select_n3A, %sign3A_503 : i32
      %sign3A_505 = arith.extui %sign3A_504 : i1 to i32
      %sign3A_506 = arith.constant 0 : i32
      %sign3A_507 = arith.cmpi slt, %select_n3A, %sign3A_506 : i32
      %sign3A_508 = arith.extui %sign3A_507 : i1 to i32
      %sign3A_509 = arith.subi %sign3A_505, %sign3A_508 : i32
      %sign3A_510 = arith.constant 0 : i32
      %sign3A_511 = arith.cmpi sgt, %jit3A_501, %sign3A_510 : i32
      %sign3A_512 = arith.extui %sign3A_511 : i1 to i32
      %sign3A_513 = arith.constant 0 : i32
      %sign3A_514 = arith.cmpi slt, %jit3A_501, %sign3A_513 : i32
      %sign3A_515 = arith.extui %sign3A_514 : i1 to i32
      %sign3A_516 = arith.subi %sign3A_512, %sign3A_515 : i32
      %ne3A_517 = arith.cmpi ne, %sign3A_509, %sign3A_516 : i32
      %rem3A_518 = arith.remsi %select_n3A, %jit3A_501 : i32
      %ne3A_519 = arith.constant 0 : i32
      %ne3A_520 = arith.cmpi ne, %rem3A_518, %ne3A_519 : i32
      %and3A_521 = arith.andi %ne3A_517, %ne3A_520 : i1
      %sub3A_522 = arith.constant 1 : i32
      %sub3A_523 = arith.subi %div3A_502, %sub3A_522 : i32
      %select_n3A_524 = arith.select %and3A_521, %sub3A_523, %div3A_502 : i32
      %jit3A_525 = arith.constant 16 : i32
      %eq3A_526 = arith.constant 0 : i32
      %eq3A_527 = arith.cmpi eq, %jit3A_525, %eq3A_526 : i32
      %jit3A_528 = arith.constant 1 : i32
      %select_n3A_529 = arith.select %eq3A_527, %jit3A_528, %jit3A_525 : i32
      %rem3A_530 = arith.remsi %select_n3A, %select_n3A_529 : i32
      %ne3A_531 = arith.constant 0 : i32
      %ne3A_532 = arith.cmpi ne, %rem3A_530, %ne3A_531 : i32
      %lt3A_533 = arith.constant 0 : i32
      %lt3A_534 = arith.cmpi slt, %rem3A_530, %lt3A_533 : i32
      %lt3A_535 = arith.constant 0 : i32
      %lt3A_536 = arith.cmpi slt, %select_n3A_529, %lt3A_535 : i32
      %ne3A_537 = arith.xori %lt3A_534, %lt3A_536 : i1
      %and3A_538 = arith.andi %ne3A_537, %ne3A_532 : i1
      %add3A_539 = arith.addi %rem3A_530, %select_n3A_529 : i32
      %select_n3A_540 = arith.select %and3A_538, %add3A_539, %rem3A_530 : i32
      %jit3A_541 = arith.constant 8 : i32
      %div3A_542 = arith.divsi %select_n3A_540, %jit3A_541 : i32
      %sign3A_543 = arith.constant 0 : i32
      %sign3A_544 = arith.cmpi sgt, %select_n3A_540, %sign3A_543 : i32
      %sign3A_545 = arith.extui %sign3A_544 : i1 to i32
      %sign3A_546 = arith.constant 0 : i32
      %sign3A_547 = arith.cmpi slt, %select_n3A_540, %sign3A_546 : i32
      %sign3A_548 = arith.extui %sign3A_547 : i1 to i32
      %sign3A_549 = arith.subi %sign3A_545, %sign3A_548 : i32
      %sign3A_550 = arith.constant 0 : i32
      %sign3A_551 = arith.cmpi sgt, %jit3A_541, %sign3A_550 : i32
      %sign3A_552 = arith.extui %sign3A_551 : i1 to i32
      %sign3A_553 = arith.constant 0 : i32
      %sign3A_554 = arith.cmpi slt, %jit3A_541, %sign3A_553 : i32
      %sign3A_555 = arith.extui %sign3A_554 : i1 to i32
      %sign3A_556 = arith.subi %sign3A_552, %sign3A_555 : i32
      %ne3A_557 = arith.cmpi ne, %sign3A_549, %sign3A_556 : i32
      %rem3A_558 = arith.remsi %select_n3A_540, %jit3A_541 : i32
      %ne3A_559 = arith.constant 0 : i32
      %ne3A_560 = arith.cmpi ne, %rem3A_558, %ne3A_559 : i32
      %and3A_561 = arith.andi %ne3A_557, %ne3A_560 : i1
      %sub3A_562 = arith.constant 1 : i32
      %sub3A_563 = arith.subi %div3A_542, %sub3A_562 : i32
      %select_n3A_564 = arith.select %and3A_561, %sub3A_563, %div3A_542 : i32
      %mul3A_565 = arith.constant 16000000 : i32
      %mul3A_566 = arith.muli %select_n3A_564, %mul3A_565 : i32
      %jit3A_567 = arith.constant 8 : i32
      %eq3A_568 = arith.constant 0 : i32
      %eq3A_569 = arith.cmpi eq, %jit3A_567, %eq3A_568 : i32
      %jit3A_570 = arith.constant 1 : i32
      %select_n3A_571 = arith.select %eq3A_569, %jit3A_570, %jit3A_567 : i32
      %rem3A_572 = arith.remsi %select_n3A_540, %select_n3A_571 : i32
      %ne3A_573 = arith.constant 0 : i32
      %ne3A_574 = arith.cmpi ne, %rem3A_572, %ne3A_573 : i32
      %lt3A_575 = arith.constant 0 : i32
      %lt3A_576 = arith.cmpi slt, %rem3A_572, %lt3A_575 : i32
      %lt3A_577 = arith.constant 0 : i32
      %lt3A_578 = arith.cmpi slt, %select_n3A_571, %lt3A_577 : i32
      %ne3A_579 = arith.xori %lt3A_576, %lt3A_578 : i1
      %and3A_580 = arith.andi %ne3A_579, %ne3A_574 : i1
      %add3A_581 = arith.addi %rem3A_572, %select_n3A_571 : i32
      %select_n3A_582 = arith.select %and3A_580, %add3A_581, %rem3A_572 : i32
      %mul3A_583 = arith.constant 128 : i32
      %mul3A_584 = arith.muli %select_n3A_582, %mul3A_583 : i32
      %add3A_585 = arith.addi %mul3A_566, %mul3A_584 : i32
      %add3A_586 = arith.constant 0 : i32
      %add3A_587 = arith.addi %mul3A_500, %add3A_586 : i32
      %get3A = arith.index_cast %select_n3A_524 : i32 to index
      %get3A_588 = arith.index_cast %add3A_587 : i32 to index
      %get3A_589 = tpu.vector_load %arg7[%get3A, %get3A_588] {strides = array<i32>} : memref<2x512xi32, #tpu.memory_space<vmem>>, vector<16xi32>,
      %add3A_590 = vector.broadcast %add3A_585 : i32 to vector<16xi32>
      %add3A_591 = arith.addi %get3A_589, %add3A_590 : vector<16xi32>
      %mul3A_592 = arith.constant 128 : i32
      %mul3A_593 = arith.muli %scan3A_467, %mul3A_592 : i32
      %add3A_594 = arith.constant 0 : i32
      %add3A_595 = arith.addi %mul3A_593, %add3A_594 : i32
      %swap3A = arith.index_cast %add3A_595 : i32 to index
      %swap3A_596 = tpu.vector_load %arg8[%swap3A] {strides = array<i32>} : memref<16384xi32, #tpu.memory_space<vmem>>, vector<16xi32>,
      tpu.vector_store %arg8[%swap3A], %add3A_591 {strides = array<i32>} : memref<16384xi32, #tpu.memory_space<vmem>>, vector<16xi32>,
      %add3A_597 = arith.constant 16 : i32
      %add3A_598 = arith.addi %mul3A_500, %add3A_597 : i32
      %get3A_599 = arith.index_cast %select_n3A_524 : i32 to index
      %get3A_600 = arith.index_cast %add3A_598 : i32 to index
      %get3A_601 = tpu.vector_load %arg7[%get3A_599, %get3A_600] {strides = array<i32>} : memref<2x512xi32, #tpu.memory_space<vmem>>, vector<16xi32>,
      %add3A_602 = vector.broadcast %add3A_585 : i32 to vector<16xi32>
      %add3A_603 = arith.addi %get3A_601, %add3A_602 : vector<16xi32>
      %mul3A_604 = arith.constant 128 : i32
      %mul3A_605 = arith.muli %scan3A_467, %mul3A_604 : i32
      %add3A_606 = arith.constant 16 : i32
      %add3A_607 = arith.addi %mul3A_605, %add3A_606 : i32
      %swap3A_608 = arith.index_cast %add3A_607 : i32 to index
      %swap3A_609 = tpu.vector_load %arg8[%swap3A_608] {strides = array<i32>} : memref<16384xi32, #tpu.memory_space<vmem>>, vector<16xi32>,
      tpu.vector_store %arg8[%swap3A_608], %add3A_603 {strides = array<i32>} : memref<16384xi32, #tpu.memory_space<vmem>>, vector<16xi32>,
      %add3A_610 = arith.constant 32 : i32
      %add3A_611 = arith.addi %mul3A_500, %add3A_610 : i32
      %get3A_612 = arith.index_cast %select_n3A_524 : i32 to index
      %get3A_613 = arith.index_cast %add3A_611 : i32 to index
      %get3A_614 = tpu.vector_load %arg7[%get3A_612, %get3A_613] {strides = array<i32>} : memref<2x512xi32, #tpu.memory_space<vmem>>, vector<16xi32>,
      %add3A_615 = vector.broadcast %add3A_585 : i32 to vector<16xi32>
      %add3A_616 = arith.addi %get3A_614, %add3A_615 : vector<16xi32>
      %mul3A_617 = arith.constant 128 : i32
      %mul3A_618 = arith.muli %scan3A_467, %mul3A_617 : i32
      %add3A_619 = arith.constant 32 : i32
      %add3A_620 = arith.addi %mul3A_618, %add3A_619 : i32
      %swap3A_621 = arith.index_cast %add3A_620 : i32 to index
      %swap3A_622 = tpu.vector_load %arg8[%swap3A_621] {strides = array<i32>} : memref<16384xi32, #tpu.memory_space<vmem>>, vector<16xi32>,
      tpu.vector_store %arg8[%swap3A_621], %add3A_616 {strides = array<i32>} : memref<16384xi32, #tpu.memory_space<vmem>>, vector<16xi32>,
      %add3A_623 = arith.constant 48 : i32
      %add3A_624 = arith.addi %mul3A_500, %add3A_623 : i32
      %get3A_625 = arith.index_cast %select_n3A_524 : i32 to index
      %get3A_626 = arith.index_cast %add3A_624 : i32 to index
      %get3A_627 = tpu.vector_load %arg7[%get3A_625, %get3A_626] {strides = array<i32>} : memref<2x512xi32, #tpu.memory_space<vmem>>, vector<16xi32>,
      %add3A_628 = vector.broadcast %add3A_585 : i32 to vector<16xi32>
      %add3A_629 = arith.addi %get3A_627, %add3A_628 : vector<16xi32>
      %mul3A_630 = arith.constant 128 : i32
      %mul3A_631 = arith.muli %scan3A_467, %mul3A_630 : i32
      %add3A_632 = arith.constant 48 : i32
      %add3A_633 = arith.addi %mul3A_631, %add3A_632 : i32
      %swap3A_634 = arith.index_cast %add3A_633 : i32 to index
      %swap3A_635 = tpu.vector_load %arg8[%swap3A_634] {strides = array<i32>} : memref<16384xi32, #tpu.memory_space<vmem>>, vector<16xi32>,
      tpu.vector_store %arg8[%swap3A_634], %add3A_629 {strides = array<i32>} : memref<16384xi32, #tpu.memory_space<vmem>>, vector<16xi32>,
      %add3A_636 = arith.constant 64 : i32
      %add3A_637 = arith.addi %mul3A_500, %add3A_636 : i32
      %get3A_638 = arith.index_cast %select_n3A_524 : i32 to index
      %get3A_639 = arith.index_cast %add3A_637 : i32 to index
      %get3A_640 = tpu.vector_load %arg7[%get3A_638, %get3A_639] {strides = array<i32>} : memref<2x512xi32, #tpu.memory_space<vmem>>, vector<16xi32>,
      %add3A_641 = vector.broadcast %add3A_585 : i32 to vector<16xi32>
      %add3A_642 = arith.addi %get3A_640, %add3A_641 : vector<16xi32>
      %mul3A_643 = arith.constant 128 : i32
      %mul3A_644 = arith.muli %scan3A_467, %mul3A_643 : i32
      %add3A_645 = arith.constant 64 : i32
      %add3A_646 = arith.addi %mul3A_644, %add3A_645 : i32
      %swap3A_647 = arith.index_cast %add3A_646 : i32 to index
      %swap3A_648 = tpu.vector_load %arg8[%swap3A_647] {strides = array<i32>} : memref<16384xi32, #tpu.memory_space<vmem>>, vector<16xi32>,
      tpu.vector_store %arg8[%swap3A_647], %add3A_642 {strides = array<i32>} : memref<16384xi32, #tpu.memory_space<vmem>>, vector<16xi32>,
      %add3A_649 = arith.constant 80 : i32
      %add3A_650 = arith.addi %mul3A_500, %add3A_649 : i32
      %get3A_651 = arith.index_cast %select_n3A_524 : i32 to index
      %get3A_652 = arith.index_cast %add3A_650 : i32 to index
      %get3A_653 = tpu.vector_load %arg7[%get3A_651, %get3A_652] {strides = array<i32>} : memref<2x512xi32, #tpu.memory_space<vmem>>, vector<16xi32>,
      %add3A_654 = vector.broadcast %add3A_585 : i32 to vector<16xi32>
      %add3A_655 = arith.addi %get3A_653, %add3A_654 : vector<16xi32>
      %mul3A_656 = arith.constant 128 : i32
      %mul3A_657 = arith.muli %scan3A_467, %mul3A_656 : i32
      %add3A_658 = arith.constant 80 : i32
      %add3A_659 = arith.addi %mul3A_657, %add3A_658 : i32
      %swap3A_660 = arith.index_cast %add3A_659 : i32 to index
      %swap3A_661 = tpu.vector_load %arg8[%swap3A_660] {strides = array<i32>} : memref<16384xi32, #tpu.memory_space<vmem>>, vector<16xi32>,
      tpu.vector_store %arg8[%swap3A_660], %add3A_655 {strides = array<i32>} : memref<16384xi32, #tpu.memory_space<vmem>>, vector<16xi32>,
      %add3A_662 = arith.constant 96 : i32
      %add3A_663 = arith.addi %mul3A_500, %add3A_662 : i32
      %get3A_664 = arith.index_cast %select_n3A_524 : i32 to index
      %get3A_665 = arith.index_cast %add3A_663 : i32 to index
      %get3A_666 = tpu.vector_load %arg7[%get3A_664, %get3A_665] {strides = array<i32>} : memref<2x512xi32, #tpu.memory_space<vmem>>, vector<16xi32>,
      %add3A_667 = vector.broadcast %add3A_585 : i32 to vector<16xi32>
      %add3A_668 = arith.addi %get3A_666, %add3A_667 : vector<16xi32>
      %mul3A_669 = arith.constant 128 : i32
      %mul3A_670 = arith.muli %scan3A_467, %mul3A_669 : i32
      %add3A_671 = arith.constant 96 : i32
      %add3A_672 = arith.addi %mul3A_670, %add3A_671 : i32
      %swap3A_673 = arith.index_cast %add3A_672 : i32 to index
      %swap3A_674 = tpu.vector_load %arg8[%swap3A_673] {strides = array<i32>} : memref<16384xi32, #tpu.memory_space<vmem>>, vector<16xi32>,
      tpu.vector_store %arg8[%swap3A_673], %add3A_668 {strides = array<i32>} : memref<16384xi32, #tpu.memory_space<vmem>>, vector<16xi32>,
      %add3A_675 = arith.constant 112 : i32
      %add3A_676 = arith.addi %mul3A_500, %add3A_675 : i32
      %get3A_677 = arith.index_cast %select_n3A_524 : i32 to index
      %get3A_678 = arith.index_cast %add3A_676 : i32 to index
      %get3A_679 = tpu.vector_load %arg7[%get3A_677, %get3A_678] {strides = array<i32>} : memref<2x512xi32, #tpu.memory_space<vmem>>, vector<16xi32>,
      %add3A_680 = vector.broadcast %add3A_585 : i32 to vector<16xi32>
      %add3A_681 = arith.addi %get3A_679, %add3A_680 : vector<16xi32>
      %mul3A_682 = arith.constant 128 : i32
      %mul3A_683 = arith.muli %scan3A_467, %mul3A_682 : i32
      %add3A_684 = arith.constant 112 : i32
      %add3A_685 = arith.addi %mul3A_683, %add3A_684 : i32
      %swap3A_686 = arith.index_cast %add3A_685 : i32 to index
      %swap3A_687 = tpu.vector_load %arg8[%swap3A_686] {strides = array<i32>} : memref<16384xi32, #tpu.memory_space<vmem>>, vector<16xi32>,
      tpu.vector_store %arg8[%swap3A_686], %add3A_681 {strides = array<i32>} : memref<16384xi32, #tpu.memory_space<vmem>>, vector<16xi32>,
      %mul3A_688 = arith.constant 128 : i32
      %mul3A_689 = arith.muli %scan3A_467, %mul3A_688 : i32
      %dma_start3A_690 = tpu.memref_slice %arg9[%select_n3A, %mul3A_500] : memref<32x512xf32, #tpu.memory_space<vmem>> -> memref<1x128xf32, #tpu.memory_space<vmem>>
      %dma_start3A_691 = tpu.memref_squeeze %dma_start3A_690 : memref<1x128xf32, #tpu.memory_space<vmem>> -> memref<128xf32, #tpu.memory_space<vmem>>
      %dma_start3A_692 = tpu.memref_slice %arg8[%mul3A_689] : memref<16384xi32, #tpu.memory_space<vmem>> -> memref<128xi32, #tpu.memory_space<vmem>>
      %dma_start3A_693 = arith.constant 0 : i32
      %dma_start3A_694 = tpu.memref_slice %arg4[%dma_start3A_693] : memref<32000000xf32, #tpu.memory_space<hbm>> -> memref<32000000xf32, #tpu.memory_space<hbm>>
      tpu.enqueue_indirect_dma source(%dma_start3A_694 : memref<32000000xf32, #tpu.memory_space<hbm>>) target(%dma_start3A_691 : memref<128xf32, #tpu.memory_space<vmem>>) offsets(%dma_start3A_692 : memref<128xi32, #tpu.memory_space<vmem>>) semaphore(%arg11 : memref<!tpu.dma_semaphore, #tpu.memory_space<semaphore_mem>>)
      %scan3A_695 = arith.constant 0 : i32
      scf.yield %scan3A_695 : i32
    }
    %scan3A_16 = arith.constant 128 : i32
    %dma_wait3A = arith.constant 0 : i32
    %dma_wait3A_17 = tpu.memref_slice %arg4[%dma_wait3A] : memref<32000000xf32, #tpu.memory_space<hbm>> -> memref<16384xf32, #tpu.memory_space<hbm>>
    %dma_wait3A_18 = arith.constant 0 : i32
    %dma_wait3A_19 = tpu.memref_slice %arg4[%dma_wait3A_18] : memref<32000000xf32, #tpu.memory_space<hbm>> -> memref<16384xf32, #tpu.memory_space<hbm>>
    tpu.wait_dma2 semaphore(%arg11 : memref<!tpu.dma_semaphore, #tpu.memory_space<semaphore_mem>>) src(%dma_wait3A_19 : memref<16384xf32, #tpu.memory_space<hbm>>) dst(%arg10 : memref<16384xf32, #tpu.memory_space<vmem>>)
    %mul3A_20 = arith.constant 4 : i32
    %mul3A_21 = arith.muli %add3A, %mul3A_20 : i32
    %add3A_22 = arith.constant 0 : i32
    %add3A_23 = arith.addi %add3A_22, %mul3A_21 : i32
    %add3A_24 = arith.constant 0 : i32
    %add3A_25 = arith.addi %add3A_23, %add3A_24 : i32
    %mul3A_26 = arith.constant 8 : i32
    %mul3A_27 = arith.muli %mul3A_26, %add3A_25 : i32
    %dma_start3A = arith.constant 0 : i32
    %dma_start3A_28 = arith.constant 0 : i32
    %dma_start3A_29 = tpu.memref_slice %arg9[%dma_start3A, %dma_start3A_28] : memref<32x512xf32, #tpu.memory_space<vmem>> -> memref<8x128xf32, #tpu.memory_space<vmem>>
    %dma_start3A_30 = arith.constant 0 : i32
    %dma_start3A_31 = tpu.memref_slice %arg5[%mul3A_27, %dma_start3A_30] : memref<4096x128xf32, #tpu.memory_space<hbm>> -> memref<8x128xf32, #tpu.memory_space<hbm>>
    %dma_start3A_32 = arith.constant 0 : i32
    %dma_start3A_33 = tpu.memref_slice %arg5[%mul3A_27, %dma_start3A_32] : memref<4096x128xf32, #tpu.memory_space<hbm>> -> memref<8x128xf32, #tpu.memory_space<hbm>>
    %dma_start3A_34 = arith.constant 0 : i32
    %dma_start3A_35 = arith.constant 0 : i32
    %dma_start3A_36 = tpu.memref_slice %arg9[%dma_start3A_34, %dma_start3A_35] : memref<32x512xf32, #tpu.memory_space<vmem>> -> memref<8x128xf32, #tpu.memory_space<vmem>>
    tpu.enqueue_dma source(%dma_start3A_36 : memref<8x128xf32, #tpu.memory_space<vmem>>) target(%dma_start3A_33 : memref<8x128xf32, #tpu.memory_space<hbm>>) target_semaphore(%arg12 : memref<!tpu.dma_semaphore, #tpu.memory_space<semaphore_mem>>)
    %mul3A_37 = arith.constant 4 : i32
    %mul3A_38 = arith.muli %add3A, %mul3A_37 : i32
    %add3A_39 = arith.constant 0 : i32
    %add3A_40 = arith.addi %add3A_39, %mul3A_38 : i32
    %add3A_41 = arith.constant 1 : i32
    %add3A_42 = arith.addi %add3A_40, %add3A_41 : i32
    %mul3A_43 = arith.constant 8 : i32
    %mul3A_44 = arith.muli %mul3A_43, %add3A_42 : i32
    %dma_start3A_45 = arith.constant 0 : i32
    %dma_start3A_46 = arith.constant 128 : i32
    %dma_start3A_47 = tpu.memref_slice %arg9[%dma_start3A_45, %dma_start3A_46] : memref<32x512xf32, #tpu.memory_space<vmem>> -> memref<8x128xf32, #tpu.memory_space<vmem>>
    %dma_start3A_48 = arith.constant 0 : i32
    %dma_start3A_49 = tpu.memref_slice %arg5[%mul3A_44, %dma_start3A_48] : memref<4096x128xf32, #tpu.memory_space<hbm>> -> memref<8x128xf32, #tpu.memory_space<hbm>>
    %dma_start3A_50 = arith.constant 0 : i32
    %dma_start3A_51 = tpu.memref_slice %arg5[%mul3A_44, %dma_start3A_50] : memref<4096x128xf32, #tpu.memory_space<hbm>> -> memref<8x128xf32, #tpu.memory_space<hbm>>
    %dma_start3A_52 = arith.constant 0 : i32
    %dma_start3A_53 = arith.constant 128 : i32
    %dma_start3A_54 = tpu.memref_slice %arg9[%dma_start3A_52, %dma_start3A_53] : memref<32x512xf32, #tpu.memory_space<vmem>> -> memref<8x128xf32, #tpu.memory_space<vmem>>
    tpu.enqueue_dma source(%dma_start3A_54 : memref<8x128xf32, #tpu.memory_space<vmem>>) target(%dma_start3A_51 : memref<8x128xf32, #tpu.memory_space<hbm>>) target_semaphore(%arg12 : memref<!tpu.dma_semaphore, #tpu.memory_space<semaphore_mem>>)
    %mul3A_55 = arith.constant 4 : i32
    %mul3A_56 = arith.muli %add3A, %mul3A_55 : i32
    %add3A_57 = arith.constant 0 : i32
    %add3A_58 = arith.addi %add3A_57, %mul3A_56 : i32
    %add3A_59 = arith.constant 2 : i32
    %add3A_60 = arith.addi %add3A_58, %add3A_59 : i32
    %mul3A_61 = arith.constant 8 : i32
    %mul3A_62 = arith.muli %mul3A_61, %add3A_60 : i32
    %dma_start3A_63 = arith.constant 0 : i32
    %dma_start3A_64 = arith.constant 256 : i32
    %dma_start3A_65 = tpu.memref_slice %arg9[%dma_start3A_63, %dma_start3A_64] : memref<32x512xf32, #tpu.memory_space<vmem>> -> memref<8x128xf32, #tpu.memory_space<vmem>>
    %dma_start3A_66 = arith.constant 0 : i32
    %dma_start3A_67 = tpu.memref_slice %arg5[%mul3A_62, %dma_start3A_66] : memref<4096x128xf32, #tpu.memory_space<hbm>> -> memref<8x128xf32, #tpu.memory_space<hbm>>
    %dma_start3A_68 = arith.constant 0 : i32
    %dma_start3A_69 = tpu.memref_slice %arg5[%mul3A_62, %dma_start3A_68] : memref<4096x128xf32, #tpu.memory_space<hbm>> -> memref<8x128xf32, #tpu.memory_space<hbm>>
    %dma_start3A_70 = arith.constant 0 : i32
    %dma_start3A_71 = arith.constant 256 : i32
    %dma_start3A_72 = tpu.memref_slice %arg9[%dma_start3A_70, %dma_start3A_71] : memref<32x512xf32, #tpu.memory_space<vmem>> -> memref<8x128xf32, #tpu.memory_space<vmem>>
    tpu.enqueue_dma source(%dma_start3A_72 : memref<8x128xf32, #tpu.memory_space<vmem>>) target(%dma_start3A_69 : memref<8x128xf32, #tpu.memory_space<hbm>>) target_semaphore(%arg12 : memref<!tpu.dma_semaphore, #tpu.memory_space<semaphore_mem>>)
    %mul3A_73 = arith.constant 4 : i32
    %mul3A_74 = arith.muli %add3A, %mul3A_73 : i32
    %add3A_75 = arith.constant 0 : i32
    %add3A_76 = arith.addi %add3A_75, %mul3A_74 : i32
    %add3A_77 = arith.constant 3 : i32
    %add3A_78 = arith.addi %add3A_76, %add3A_77 : i32
    %mul3A_79 = arith.constant 8 : i32
    %mul3A_80 = arith.muli %mul3A_79, %add3A_78 : i32
    %dma_start3A_81 = arith.constant 0 : i32
    %dma_start3A_82 = arith.constant 384 : i32
    %dma_start3A_83 = tpu.memref_slice %arg9[%dma_start3A_81, %dma_start3A_82] : memref<32x512xf32, #tpu.memory_space<vmem>> -> memref<8x128xf32, #tpu.memory_space<vmem>>
    %dma_start3A_84 = arith.constant 0 : i32
    %dma_start3A_85 = tpu.memref_slice %arg5[%mul3A_80, %dma_start3A_84] : memref<4096x128xf32, #tpu.memory_space<hbm>> -> memref<8x128xf32, #tpu.memory_space<hbm>>
    %dma_start3A_86 = arith.constant 0 : i32
    %dma_start3A_87 = tpu.memref_slice %arg5[%mul3A_80, %dma_start3A_86] : memref<4096x128xf32, #tpu.memory_space<hbm>> -> memref<8x128xf32, #tpu.memory_space<hbm>>
    %dma_start3A_88 = arith.constant 0 : i32
    %dma_start3A_89 = arith.constant 384 : i32
    %dma_start3A_90 = tpu.memref_slice %arg9[%dma_start3A_88, %dma_start3A_89] : memref<32x512xf32, #tpu.memory_space<vmem>> -> memref<8x128xf32, #tpu.memory_space<vmem>>
    tpu.enqueue_dma source(%dma_start3A_90 : memref<8x128xf32, #tpu.memory_space<vmem>>) target(%dma_start3A_87 : memref<8x128xf32, #tpu.memory_space<hbm>>) target_semaphore(%arg12 : memref<!tpu.dma_semaphore, #tpu.memory_space<semaphore_mem>>)
    %mul3A_91 = arith.constant 4 : i32
    %mul3A_92 = arith.muli %add3A, %mul3A_91 : i32
    %add3A_93 = arith.constant 128 : i32
    %add3A_94 = arith.addi %add3A_93, %mul3A_92 : i32
    %add3A_95 = arith.constant 0 : i32
    %add3A_96 = arith.addi %add3A_94, %add3A_95 : i32
    %mul3A_97 = arith.constant 8 : i32
    %mul3A_98 = arith.muli %mul3A_97, %add3A_96 : i32
    %dma_start3A_99 = arith.constant 8 : i32
    %dma_start3A_100 = arith.constant 0 : i32
    %dma_start3A_101 = tpu.memref_slice %arg9[%dma_start3A_99, %dma_start3A_100] : memref<32x512xf32, #tpu.memory_space<vmem>> -> memref<8x128xf32, #tpu.memory_space<vmem>>
    %dma_start3A_102 = arith.constant 0 : i32
    %dma_start3A_103 = tpu.memref_slice %arg5[%mul3A_98, %dma_start3A_102] : memref<4096x128xf32, #tpu.memory_space<hbm>> -> memref<8x128xf32, #tpu.memory_space<hbm>>
    %dma_start3A_104 = arith.constant 0 : i32
    %dma_start3A_105 = tpu.memref_slice %arg5[%mul3A_98, %dma_start3A_104] : memref<4096x128xf32, #tpu.memory_space<hbm>> -> memref<8x128xf32, #tpu.memory_space<hbm>>
    %dma_start3A_106 = arith.constant 8 : i32
    %dma_start3A_107 = arith.constant 0 : i32
    %dma_start3A_108 = tpu.memref_slice %arg9[%dma_start3A_106, %dma_start3A_107] : memref<32x512xf32, #tpu.memory_space<vmem>> -> memref<8x128xf32, #tpu.memory_space<vmem>>
    tpu.enqueue_dma source(%dma_start3A_108 : memref<8x128xf32, #tpu.memory_space<vmem>>) target(%dma_start3A_105 : memref<8x128xf32, #tpu.memory_space<hbm>>) target_semaphore(%arg12 : memref<!tpu.dma_semaphore, #tpu.memory_space<semaphore_mem>>)
    %mul3A_109 = arith.constant 4 : i32
    %mul3A_110 = arith.muli %add3A, %mul3A_109 : i32
    %add3A_111 = arith.constant 128 : i32
    %add3A_112 = arith.addi %add3A_111, %mul3A_110 : i32
    %add3A_113 = arith.constant 1 : i32
    %add3A_114 = arith.addi %add3A_112, %add3A_113 : i32
    %mul3A_115 = arith.constant 8 : i32
    %mul3A_116 = arith.muli %mul3A_115, %add3A_114 : i32
    %dma_start3A_117 = arith.constant 8 : i32
    %dma_start3A_118 = arith.constant 128 : i32
    %dma_start3A_119 = tpu.memref_slice %arg9[%dma_start3A_117, %dma_start3A_118] : memref<32x512xf32, #tpu.memory_space<vmem>> -> memref<8x128xf32, #tpu.memory_space<vmem>>
    %dma_start3A_120 = arith.constant 0 : i32
    %dma_start3A_121 = tpu.memref_slice %arg5[%mul3A_116, %dma_start3A_120] : memref<4096x128xf32, #tpu.memory_space<hbm>> -> memref<8x128xf32, #tpu.memory_space<hbm>>
    %dma_start3A_122 = arith.constant 0 : i32
    %dma_start3A_123 = tpu.memref_slice %arg5[%mul3A_116, %dma_start3A_122] : memref<4096x128xf32, #tpu.memory_space<hbm>> -> memref<8x128xf32, #tpu.memory_space<hbm>>
    %dma_start3A_124 = arith.constant 8 : i32
    %dma_start3A_125 = arith.constant 128 : i32
    %dma_start3A_126 = tpu.memref_slice %arg9[%dma_start3A_124, %dma_start3A_125] : memref<32x512xf32, #tpu.memory_space<vmem>> -> memref<8x128xf32, #tpu.memory_space<vmem>>
    tpu.enqueue_dma source(%dma_start3A_126 : memref<8x128xf32, #tpu.memory_space<vmem>>) target(%dma_start3A_123 : memref<8x128xf32, #tpu.memory_space<hbm>>) target_semaphore(%arg12 : memref<!tpu.dma_semaphore, #tpu.memory_space<semaphore_mem>>)
    %mul3A_127 = arith.constant 4 : i32
    %mul3A_128 = arith.muli %add3A, %mul3A_127 : i32
    %add3A_129 = arith.constant 128 : i32
    %add3A_130 = arith.addi %add3A_129, %mul3A_128 : i32
    %add3A_131 = arith.constant 2 : i32
    %add3A_132 = arith.addi %add3A_130, %add3A_131 : i32
    %mul3A_133 = arith.constant 8 : i32
    %mul3A_134 = arith.muli %mul3A_133, %add3A_132 : i32
    %dma_start3A_135 = arith.constant 8 : i32
    %dma_start3A_136 = arith.constant 256 : i32
    %dma_start3A_137 = tpu.memref_slice %arg9[%dma_start3A_135, %dma_start3A_136] : memref<32x512xf32, #tpu.memory_space<vmem>> -> memref<8x128xf32, #tpu.memory_space<vmem>>
    %dma_start3A_138 = arith.constant 0 : i32
    %dma_start3A_139 = tpu.memref_slice %arg5[%mul3A_134, %dma_start3A_138] : memref<4096x128xf32, #tpu.memory_space<hbm>> -> memref<8x128xf32, #tpu.memory_space<hbm>>
    %dma_start3A_140 = arith.constant 0 : i32
    %dma_start3A_141 = tpu.memref_slice %arg5[%mul3A_134, %dma_start3A_140] : memref<4096x128xf32, #tpu.memory_space<hbm>> -> memref<8x128xf32, #tpu.memory_space<hbm>>
    %dma_start3A_142 = arith.constant 8 : i32
    %dma_start3A_143 = arith.constant 256 : i32
    %dma_start3A_144 = tpu.memref_slice %arg9[%dma_start3A_142, %dma_start3A_143] : memref<32x512xf32, #tpu.memory_space<vmem>> -> memref<8x128xf32, #tpu.memory_space<vmem>>
    tpu.enqueue_dma source(%dma_start3A_144 : memref<8x128xf32, #tpu.memory_space<vmem>>) target(%dma_start3A_141 : memref<8x128xf32, #tpu.memory_space<hbm>>) target_semaphore(%arg12 : memref<!tpu.dma_semaphore, #tpu.memory_space<semaphore_mem>>)
    %mul3A_145 = arith.constant 4 : i32
    %mul3A_146 = arith.muli %add3A, %mul3A_145 : i32
    %add3A_147 = arith.constant 128 : i32
    %add3A_148 = arith.addi %add3A_147, %mul3A_146 : i32
    %add3A_149 = arith.constant 3 : i32
    %add3A_150 = arith.addi %add3A_148, %add3A_149 : i32
    %mul3A_151 = arith.constant 8 : i32
    %mul3A_152 = arith.muli %mul3A_151, %add3A_150 : i32
    %dma_start3A_153 = arith.constant 8 : i32
    %dma_start3A_154 = arith.constant 384 : i32
    %dma_start3A_155 = tpu.memref_slice %arg9[%dma_start3A_153, %dma_start3A_154] : memref<32x512xf32, #tpu.memory_space<vmem>> -> memref<8x128xf32, #tpu.memory_space<vmem>>
    %dma_start3A_156 = arith.constant 0 : i32
    %dma_start3A_157 = tpu.memref_slice %arg5[%mul3A_152, %dma_start3A_156] : memref<4096x128xf32, #tpu.memory_space<hbm>> -> memref<8x128xf32, #tpu.memory_space<hbm>>
    %dma_start3A_158 = arith.constant 0 : i32
    %dma_start3A_159 = tpu.memref_slice %arg5[%mul3A_152, %dma_start3A_158] : memref<4096x128xf32, #tpu.memory_space<hbm>> -> memref<8x128xf32, #tpu.memory_space<hbm>>
    %dma_start3A_160 = arith.constant 8 : i32
    %dma_start3A_161 = arith.constant 384 : i32
    %dma_start3A_162 = tpu.memref_slice %arg9[%dma_start3A_160, %dma_start3A_161] : memref<32x512xf32, #tpu.memory_space<vmem>> -> memref<8x128xf32, #tpu.memory_space<vmem>>
    tpu.enqueue_dma source(%dma_start3A_162 : memref<8x128xf32, #tpu.memory_space<vmem>>) target(%dma_start3A_159 : memref<8x128xf32, #tpu.memory_space<hbm>>) target_semaphore(%arg12 : memref<!tpu.dma_semaphore, #tpu.memory_space<semaphore_mem>>)
    %mul3A_163 = arith.constant 4 : i32
    %mul3A_164 = arith.muli %add3A, %mul3A_163 : i32
    %add3A_165 = arith.constant 256 : i32
    %add3A_166 = arith.addi %add3A_165, %mul3A_164 : i32
    %add3A_167 = arith.constant 0 : i32
    %add3A_168 = arith.addi %add3A_166, %add3A_167 : i32
    %mul3A_169 = arith.constant 8 : i32
    %mul3A_170 = arith.muli %mul3A_169, %add3A_168 : i32
    %dma_start3A_171 = arith.constant 16 : i32
    %dma_start3A_172 = arith.constant 0 : i32
    %dma_start3A_173 = tpu.memref_slice %arg9[%dma_start3A_171, %dma_start3A_172] : memref<32x512xf32, #tpu.memory_space<vmem>> -> memref<8x128xf32, #tpu.memory_space<vmem>>
    %dma_start3A_174 = arith.constant 0 : i32
    %dma_start3A_175 = tpu.memref_slice %arg5[%mul3A_170, %dma_start3A_174] : memref<4096x128xf32, #tpu.memory_space<hbm>> -> memref<8x128xf32, #tpu.memory_space<hbm>>
    %dma_start3A_176 = arith.constant 0 : i32
    %dma_start3A_177 = tpu.memref_slice %arg5[%mul3A_170, %dma_start3A_176] : memref<4096x128xf32, #tpu.memory_space<hbm>> -> memref<8x128xf32, #tpu.memory_space<hbm>>
    %dma_start3A_178 = arith.constant 16 : i32
    %dma_start3A_179 = arith.constant 0 : i32
    %dma_start3A_180 = tpu.memref_slice %arg9[%dma_start3A_178, %dma_start3A_179] : memref<32x512xf32, #tpu.memory_space<vmem>> -> memref<8x128xf32, #tpu.memory_space<vmem>>
    tpu.enqueue_dma source(%dma_start3A_180 : memref<8x128xf32, #tpu.memory_space<vmem>>) target(%dma_start3A_177 : memref<8x128xf32, #tpu.memory_space<hbm>>) target_semaphore(%arg12 : memref<!tpu.dma_semaphore, #tpu.memory_space<semaphore_mem>>)
    %mul3A_181 = arith.constant 4 : i32
    %mul3A_182 = arith.muli %add3A, %mul3A_181 : i32
    %add3A_183 = arith.constant 256 : i32
    %add3A_184 = arith.addi %add3A_183, %mul3A_182 : i32
    %add3A_185 = arith.constant 1 : i32
    %add3A_186 = arith.addi %add3A_184, %add3A_185 : i32
    %mul3A_187 = arith.constant 8 : i32
    %mul3A_188 = arith.muli %mul3A_187, %add3A_186 : i32
    %dma_start3A_189 = arith.constant 16 : i32
    %dma_start3A_190 = arith.constant 128 : i32
    %dma_start3A_191 = tpu.memref_slice %arg9[%dma_start3A_189, %dma_start3A_190] : memref<32x512xf32, #tpu.memory_space<vmem>> -> memref<8x128xf32, #tpu.memory_space<vmem>>
    %dma_start3A_192 = arith.constant 0 : i32
    %dma_start3A_193 = tpu.memref_slice %arg5[%mul3A_188, %dma_start3A_192] : memref<4096x128xf32, #tpu.memory_space<hbm>> -> memref<8x128xf32, #tpu.memory_space<hbm>>
    %dma_start3A_194 = arith.constant 0 : i32
    %dma_start3A_195 = tpu.memref_slice %arg5[%mul3A_188, %dma_start3A_194] : memref<4096x128xf32, #tpu.memory_space<hbm>> -> memref<8x128xf32, #tpu.memory_space<hbm>>
    %dma_start3A_196 = arith.constant 16 : i32
    %dma_start3A_197 = arith.constant 128 : i32
    %dma_start3A_198 = tpu.memref_slice %arg9[%dma_start3A_196, %dma_start3A_197] : memref<32x512xf32, #tpu.memory_space<vmem>> -> memref<8x128xf32, #tpu.memory_space<vmem>>
    tpu.enqueue_dma source(%dma_start3A_198 : memref<8x128xf32, #tpu.memory_space<vmem>>) target(%dma_start3A_195 : memref<8x128xf32, #tpu.memory_space<hbm>>) target_semaphore(%arg12 : memref<!tpu.dma_semaphore, #tpu.memory_space<semaphore_mem>>)
    %mul3A_199 = arith.constant 4 : i32
    %mul3A_200 = arith.muli %add3A, %mul3A_199 : i32
    %add3A_201 = arith.constant 256 : i32
    %add3A_202 = arith.addi %add3A_201, %mul3A_200 : i32
    %add3A_203 = arith.constant 2 : i32
    %add3A_204 = arith.addi %add3A_202, %add3A_203 : i32
    %mul3A_205 = arith.constant 8 : i32
    %mul3A_206 = arith.muli %mul3A_205, %add3A_204 : i32
    %dma_start3A_207 = arith.constant 16 : i32
    %dma_start3A_208 = arith.constant 256 : i32
    %dma_start3A_209 = tpu.memref_slice %arg9[%dma_start3A_207, %dma_start3A_208] : memref<32x512xf32, #tpu.memory_space<vmem>> -> memref<8x128xf32, #tpu.memory_space<vmem>>
    %dma_start3A_210 = arith.constant 0 : i32
    %dma_start3A_211 = tpu.memref_slice %arg5[%mul3A_206, %dma_start3A_210] : memref<4096x128xf32, #tpu.memory_space<hbm>> -> memref<8x128xf32, #tpu.memory_space<hbm>>
    %dma_start3A_212 = arith.constant 0 : i32
    %dma_start3A_213 = tpu.memref_slice %arg5[%mul3A_206, %dma_start3A_212] : memref<4096x128xf32, #tpu.memory_space<hbm>> -> memref<8x128xf32, #tpu.memory_space<hbm>>
    %dma_start3A_214 = arith.constant 16 : i32
    %dma_start3A_215 = arith.constant 256 : i32
    %dma_start3A_216 = tpu.memref_slice %arg9[%dma_start3A_214, %dma_start3A_215] : memref<32x512xf32, #tpu.memory_space<vmem>> -> memref<8x128xf32, #tpu.memory_space<vmem>>
    tpu.enqueue_dma source(%dma_start3A_216 : memref<8x128xf32, #tpu.memory_space<vmem>>) target(%dma_start3A_213 : memref<8x128xf32, #tpu.memory_space<hbm>>) target_semaphore(%arg12 : memref<!tpu.dma_semaphore, #tpu.memory_space<semaphore_mem>>)
    %mul3A_217 = arith.constant 4 : i32
    %mul3A_218 = arith.muli %add3A, %mul3A_217 : i32
    %add3A_219 = arith.constant 256 : i32
    %add3A_220 = arith.addi %add3A_219, %mul3A_218 : i32
    %add3A_221 = arith.constant 3 : i32
    %add3A_222 = arith.addi %add3A_220, %add3A_221 : i32
    %mul3A_223 = arith.constant 8 : i32
    %mul3A_224 = arith.muli %mul3A_223, %add3A_222 : i32
    %dma_start3A_225 = arith.constant 16 : i32
    %dma_start3A_226 = arith.constant 384 : i32
    %dma_start3A_227 = tpu.memref_slice %arg9[%dma_start3A_225, %dma_start3A_226] : memref<32x512xf32, #tpu.memory_space<vmem>> -> memref<8x128xf32, #tpu.memory_space<vmem>>
    %dma_start3A_228 = arith.constant 0 : i32
    %dma_start3A_229 = tpu.memref_slice %arg5[%mul3A_224, %dma_start3A_228] : memref<4096x128xf32, #tpu.memory_space<hbm>> -> memref<8x128xf32, #tpu.memory_space<hbm>>
    %dma_start3A_230 = arith.constant 0 : i32
    %dma_start3A_231 = tpu.memref_slice %arg5[%mul3A_224, %dma_start3A_230] : memref<4096x128xf32, #tpu.memory_space<hbm>> -> memref<8x128xf32, #tpu.memory_space<hbm>>
    %dma_start3A_232 = arith.constant 16 : i32
    %dma_start3A_233 = arith.constant 384 : i32
    %dma_start3A_234 = tpu.memref_slice %arg9[%dma_start3A_232, %dma_start3A_233] : memref<32x512xf32, #tpu.memory_space<vmem>> -> memref<8x128xf32, #tpu.memory_space<vmem>>
    tpu.enqueue_dma source(%dma_start3A_234 : memref<8x128xf32, #tpu.memory_space<vmem>>) target(%dma_start3A_231 : memref<8x128xf32, #tpu.memory_space<hbm>>) target_semaphore(%arg12 : memref<!tpu.dma_semaphore, #tpu.memory_space<semaphore_mem>>)
    %mul3A_235 = arith.constant 4 : i32
    %mul3A_236 = arith.muli %add3A, %mul3A_235 : i32
    %add3A_237 = arith.constant 384 : i32
    %add3A_238 = arith.addi %add3A_237, %mul3A_236 : i32
    %add3A_239 = arith.constant 0 : i32
    %add3A_240 = arith.addi %add3A_238, %add3A_239 : i32
    %mul3A_241 = arith.constant 8 : i32
    %mul3A_242 = arith.muli %mul3A_241, %add3A_240 : i32
    %dma_start3A_243 = arith.constant 24 : i32
    %dma_start3A_244 = arith.constant 0 : i32
    %dma_start3A_245 = tpu.memref_slice %arg9[%dma_start3A_243, %dma_start3A_244] : memref<32x512xf32, #tpu.memory_space<vmem>> -> memref<8x128xf32, #tpu.memory_space<vmem>>
    %dma_start3A_246 = arith.constant 0 : i32
    %dma_start3A_247 = tpu.memref_slice %arg5[%mul3A_242, %dma_start3A_246] : memref<4096x128xf32, #tpu.memory_space<hbm>> -> memref<8x128xf32, #tpu.memory_space<hbm>>
    %dma_start3A_248 = arith.constant 0 : i32
    %dma_start3A_249 = tpu.memref_slice %arg5[%mul3A_242, %dma_start3A_248] : memref<4096x128xf32, #tpu.memory_space<hbm>> -> memref<8x128xf32, #tpu.memory_space<hbm>>
    %dma_start3A_250 = arith.constant 24 : i32
    %dma_start3A_251 = arith.constant 0 : i32
    %dma_start3A_252 = tpu.memref_slice %arg9[%dma_start3A_250, %dma_start3A_251] : memref<32x512xf32, #tpu.memory_space<vmem>> -> memref<8x128xf32, #tpu.memory_space<vmem>>
    tpu.enqueue_dma source(%dma_start3A_252 : memref<8x128xf32, #tpu.memory_space<vmem>>) target(%dma_start3A_249 : memref<8x128xf32, #tpu.memory_space<hbm>>) target_semaphore(%arg12 : memref<!tpu.dma_semaphore, #tpu.memory_space<semaphore_mem>>)
    %mul3A_253 = arith.constant 4 : i32
    %mul3A_254 = arith.muli %add3A, %mul3A_253 : i32
    %add3A_255 = arith.constant 384 : i32
    %add3A_256 = arith.addi %add3A_255, %mul3A_254 : i32
    %add3A_257 = arith.constant 1 : i32
    %add3A_258 = arith.addi %add3A_256, %add3A_257 : i32
    %mul3A_259 = arith.constant 8 : i32
    %mul3A_260 = arith.muli %mul3A_259, %add3A_258 : i32
    %dma_start3A_261 = arith.constant 24 : i32
    %dma_start3A_262 = arith.constant 128 : i32
    %dma_start3A_263 = tpu.memref_slice %arg9[%dma_start3A_261, %dma_start3A_262] : memref<32x512xf32, #tpu.memory_space<vmem>> -> memref<8x128xf32, #tpu.memory_space<vmem>>
    %dma_start3A_264 = arith.constant 0 : i32
    %dma_start3A_265 = tpu.memref_slice %arg5[%mul3A_260, %dma_start3A_264] : memref<4096x128xf32, #tpu.memory_space<hbm>> -> memref<8x128xf32, #tpu.memory_space<hbm>>
    %dma_start3A_266 = arith.constant 0 : i32
    %dma_start3A_267 = tpu.memref_slice %arg5[%mul3A_260, %dma_start3A_266] : memref<4096x128xf32, #tpu.memory_space<hbm>> -> memref<8x128xf32, #tpu.memory_space<hbm>>
    %dma_start3A_268 = arith.constant 24 : i32
    %dma_start3A_269 = arith.constant 128 : i32
    %dma_start3A_270 = tpu.memref_slice %arg9[%dma_start3A_268, %dma_start3A_269] : memref<32x512xf32, #tpu.memory_space<vmem>> -> memref<8x128xf32, #tpu.memory_space<vmem>>
    tpu.enqueue_dma source(%dma_start3A_270 : memref<8x128xf32, #tpu.memory_space<vmem>>) target(%dma_start3A_267 : memref<8x128xf32, #tpu.memory_space<hbm>>) target_semaphore(%arg12 : memref<!tpu.dma_semaphore, #tpu.memory_space<semaphore_mem>>)
    %mul3A_271 = arith.constant 4 : i32
    %mul3A_272 = arith.muli %add3A, %mul3A_271 : i32
    %add3A_273 = arith.constant 384 : i32
    %add3A_274 = arith.addi %add3A_273, %mul3A_272 : i32
    %add3A_275 = arith.constant 2 : i32
    %add3A_276 = arith.addi %add3A_274, %add3A_275 : i32
    %mul3A_277 = arith.constant 8 : i32
    %mul3A_278 = arith.muli %mul3A_277, %add3A_276 : i32
    %dma_start3A_279 = arith.constant 24 : i32
    %dma_start3A_280 = arith.constant 256 : i32
    %dma_start3A_281 = tpu.memref_slice %arg9[%dma_start3A_279, %dma_start3A_280] : memref<32x512xf32, #tpu.memory_space<vmem>> -> memref<8x128xf32, #tpu.memory_space<vmem>>
    %dma_start3A_282 = arith.constant 0 : i32
    %dma_start3A_283 = tpu.memref_slice %arg5[%mul3A_278, %dma_start3A_282] : memref<4096x128xf32, #tpu.memory_space<hbm>> -> memref<8x128xf32, #tpu.memory_space<hbm>>
    %dma_start3A_284 = arith.constant 0 : i32
    %dma_start3A_285 = tpu.memref_slice %arg5[%mul3A_278, %dma_start3A_284] : memref<4096x128xf32, #tpu.memory_space<hbm>> -> memref<8x128xf32, #tpu.memory_space<hbm>>
    %dma_start3A_286 = arith.constant 24 : i32
    %dma_start3A_287 = arith.constant 256 : i32
    %dma_start3A_288 = tpu.memref_slice %arg9[%dma_start3A_286, %dma_start3A_287] : memref<32x512xf32, #tpu.memory_space<vmem>> -> memref<8x128xf32, #tpu.memory_space<vmem>>
    tpu.enqueue_dma source(%dma_start3A_288 : memref<8x128xf32, #tpu.memory_space<vmem>>) target(%dma_start3A_285 : memref<8x128xf32, #tpu.memory_space<hbm>>) target_semaphore(%arg12 : memref<!tpu.dma_semaphore, #tpu.memory_space<semaphore_mem>>)
    %mul3A_289 = arith.constant 4 : i32
    %mul3A_290 = arith.muli %add3A, %mul3A_289 : i32
    %add3A_291 = arith.constant 384 : i32
    %add3A_292 = arith.addi %add3A_291, %mul3A_290 : i32
    %add3A_293 = arith.constant 3 : i32
    %add3A_294 = arith.addi %add3A_292, %add3A_293 : i32
    %mul3A_295 = arith.constant 8 : i32
    %mul3A_296 = arith.muli %mul3A_295, %add3A_294 : i32
    %dma_start3A_297 = arith.constant 24 : i32
    %dma_start3A_298 = arith.constant 384 : i32
    %dma_start3A_299 = tpu.memref_slice %arg9[%dma_start3A_297, %dma_start3A_298] : memref<32x512xf32, #tpu.memory_space<vmem>> -> memref<8x128xf32, #tpu.memory_space<vmem>>
    %dma_start3A_300 = arith.constant 0 : i32
    %dma_start3A_301 = tpu.memref_slice %arg5[%mul3A_296, %dma_start3A_300] : memref<4096x128xf32, #tpu.memory_space<hbm>> -> memref<8x128xf32, #tpu.memory_space<hbm>>
    %dma_start3A_302 = arith.constant 0 : i32
    %dma_start3A_303 = tpu.memref_slice %arg5[%mul3A_296, %dma_start3A_302] : memref<4096x128xf32, #tpu.memory_space<hbm>> -> memref<8x128xf32, #tpu.memory_space<hbm>>
    %dma_start3A_304 = arith.constant 24 : i32
    %dma_start3A_305 = arith.constant 384 : i32
    %dma_start3A_306 = tpu.memref_slice %arg9[%dma_start3A_304, %dma_start3A_305] : memref<32x512xf32, #tpu.memory_space<vmem>> -> memref<8x128xf32, #tpu.memory_space<vmem>>
    tpu.enqueue_dma source(%dma_start3A_306 : memref<8x128xf32, #tpu.memory_space<vmem>>) target(%dma_start3A_303 : memref<8x128xf32, #tpu.memory_space<hbm>>) target_semaphore(%arg12 : memref<!tpu.dma_semaphore, #tpu.memory_space<semaphore_mem>>)
    %dma_wait3A_307 = arith.constant 0 : i32
    %dma_wait3A_308 = arith.constant 0 : i32
    %dma_wait3A_309 = tpu.memref_slice %arg9[%dma_wait3A_307, %dma_wait3A_308] : memref<32x512xf32, #tpu.memory_space<vmem>> -> memref<8x128xf32, #tpu.memory_space<vmem>>
    %dma_wait3A_310 = arith.constant 0 : i32
    %dma_wait3A_311 = tpu.memref_slice %arg5[%mul3A_27, %dma_wait3A_310] : memref<4096x128xf32, #tpu.memory_space<hbm>> -> memref<8x128xf32, #tpu.memory_space<hbm>>
    %dma_wait3A_312 = arith.constant 0 : i32
    %dma_wait3A_313 = tpu.memref_slice %arg5[%mul3A_27, %dma_wait3A_312] : memref<4096x128xf32, #tpu.memory_space<hbm>> -> memref<8x128xf32, #tpu.memory_space<hbm>>
    %dma_wait3A_314 = arith.constant 0 : i32
    %dma_wait3A_315 = arith.constant 0 : i32
    %dma_wait3A_316 = tpu.memref_slice %arg9[%dma_wait3A_314, %dma_wait3A_315] : memref<32x512xf32, #tpu.memory_space<vmem>> -> memref<8x128xf32, #tpu.memory_space<vmem>>
    tpu.wait_dma2 semaphore(%arg12 : memref<!tpu.dma_semaphore, #tpu.memory_space<semaphore_mem>>) src(%dma_wait3A_316 : memref<8x128xf32, #tpu.memory_space<vmem>>) dst(%dma_wait3A_313 : memref<8x128xf32, #tpu.memory_space<hbm>>)
    %dma_wait3A_317 = arith.constant 0 : i32
    %dma_wait3A_318 = arith.constant 128 : i32
    %dma_wait3A_319 = tpu.memref_slice %arg9[%dma_wait3A_317, %dma_wait3A_318] : memref<32x512xf32, #tpu.memory_space<vmem>> -> memref<8x128xf32, #tpu.memory_space<vmem>>
    %dma_wait3A_320 = arith.constant 0 : i32
    %dma_wait3A_321 = tpu.memref_slice %arg5[%mul3A_44, %dma_wait3A_320] : memref<4096x128xf32, #tpu.memory_space<hbm>> -> memref<8x128xf32, #tpu.memory_space<hbm>>
    %dma_wait3A_322 = arith.constant 0 : i32
    %dma_wait3A_323 = tpu.memref_slice %arg5[%mul3A_44, %dma_wait3A_322] : memref<4096x128xf32, #tpu.memory_space<hbm>> -> memref<8x128xf32, #tpu.memory_space<hbm>>
    %dma_wait3A_324 = arith.constant 0 : i32
    %dma_wait3A_325 = arith.constant 128 : i32
    %dma_wait3A_326 = tpu.memref_slice %arg9[%dma_wait3A_324, %dma_wait3A_325] : memref<32x512xf32, #tpu.memory_space<vmem>> -> memref<8x128xf32, #tpu.memory_space<vmem>>
    tpu.wait_dma2 semaphore(%arg12 : memref<!tpu.dma_semaphore, #tpu.memory_space<semaphore_mem>>) src(%dma_wait3A_326 : memref<8x128xf32, #tpu.memory_space<vmem>>) dst(%dma_wait3A_323 : memref<8x128xf32, #tpu.memory_space<hbm>>)
    %dma_wait3A_327 = arith.constant 0 : i32
    %dma_wait3A_328 = arith.constant 256 : i32
    %dma_wait3A_329 = tpu.memref_slice %arg9[%dma_wait3A_327, %dma_wait3A_328] : memref<32x512xf32, #tpu.memory_space<vmem>> -> memref<8x128xf32, #tpu.memory_space<vmem>>
    %dma_wait3A_330 = arith.constant 0 : i32
    %dma_wait3A_331 = tpu.memref_slice %arg5[%mul3A_62, %dma_wait3A_330] : memref<4096x128xf32, #tpu.memory_space<hbm>> -> memref<8x128xf32, #tpu.memory_space<hbm>>
    %dma_wait3A_332 = arith.constant 0 : i32
    %dma_wait3A_333 = tpu.memref_slice %arg5[%mul3A_62, %dma_wait3A_332] : memref<4096x128xf32, #tpu.memory_space<hbm>> -> memref<8x128xf32, #tpu.memory_space<hbm>>
    %dma_wait3A_334 = arith.constant 0 : i32
    %dma_wait3A_335 = arith.constant 256 : i32
    %dma_wait3A_336 = tpu.memref_slice %arg9[%dma_wait3A_334, %dma_wait3A_335] : memref<32x512xf32, #tpu.memory_space<vmem>> -> memref<8x128xf32, #tpu.memory_space<vmem>>
    tpu.wait_dma2 semaphore(%arg12 : memref<!tpu.dma_semaphore, #tpu.memory_space<semaphore_mem>>) src(%dma_wait3A_336 : memref<8x128xf32, #tpu.memory_space<vmem>>) dst(%dma_wait3A_333 : memref<8x128xf32, #tpu.memory_space<hbm>>)
    %dma_wait3A_337 = arith.constant 0 : i32
    %dma_wait3A_338 = arith.constant 384 : i32
    %dma_wait3A_339 = tpu.memref_slice %arg9[%dma_wait3A_337, %dma_wait3A_338] : memref<32x512xf32, #tpu.memory_space<vmem>> -> memref<8x128xf32, #tpu.memory_space<vmem>>
    %dma_wait3A_340 = arith.constant 0 : i32
    %dma_wait3A_341 = tpu.memref_slice %arg5[%mul3A_80, %dma_wait3A_340] : memref<4096x128xf32, #tpu.memory_space<hbm>> -> memref<8x128xf32, #tpu.memory_space<hbm>>
    %dma_wait3A_342 = arith.constant 0 : i32
    %dma_wait3A_343 = tpu.memref_slice %arg5[%mul3A_80, %dma_wait3A_342] : memref<4096x128xf32, #tpu.memory_space<hbm>> -> memref<8x128xf32, #tpu.memory_space<hbm>>
    %dma_wait3A_344 = arith.constant 0 : i32
    %dma_wait3A_345 = arith.constant 384 : i32
    %dma_wait3A_346 = tpu.memref_slice %arg9[%dma_wait3A_344, %dma_wait3A_345] : memref<32x512xf32, #tpu.memory_space<vmem>> -> memref<8x128xf32, #tpu.memory_space<vmem>>
    tpu.wait_dma2 semaphore(%arg12 : memref<!tpu.dma_semaphore, #tpu.memory_space<semaphore_mem>>) src(%dma_wait3A_346 : memref<8x128xf32, #tpu.memory_space<vmem>>) dst(%dma_wait3A_343 : memref<8x128xf32, #tpu.memory_space<hbm>>)
    %dma_wait3A_347 = arith.constant 8 : i32
    %dma_wait3A_348 = arith.constant 0 : i32
    %dma_wait3A_349 = tpu.memref_slice %arg9[%dma_wait3A_347, %dma_wait3A_348] : memref<32x512xf32, #tpu.memory_space<vmem>> -> memref<8x128xf32, #tpu.memory_space<vmem>>
    %dma_wait3A_350 = arith.constant 0 : i32
    %dma_wait3A_351 = tpu.memref_slice %arg5[%mul3A_98, %dma_wait3A_350] : memref<4096x128xf32, #tpu.memory_space<hbm>> -> memref<8x128xf32, #tpu.memory_space<hbm>>
    %dma_wait3A_352 = arith.constant 0 : i32
    %dma_wait3A_353 = tpu.memref_slice %arg5[%mul3A_98, %dma_wait3A_352] : memref<4096x128xf32, #tpu.memory_space<hbm>> -> memref<8x128xf32, #tpu.memory_space<hbm>>
    %dma_wait3A_354 = arith.constant 8 : i32
    %dma_wait3A_355 = arith.constant 0 : i32
    %dma_wait3A_356 = tpu.memref_slice %arg9[%dma_wait3A_354, %dma_wait3A_355] : memref<32x512xf32, #tpu.memory_space<vmem>> -> memref<8x128xf32, #tpu.memory_space<vmem>>
    tpu.wait_dma2 semaphore(%arg12 : memref<!tpu.dma_semaphore, #tpu.memory_space<semaphore_mem>>) src(%dma_wait3A_356 : memref<8x128xf32, #tpu.memory_space<vmem>>) dst(%dma_wait3A_353 : memref<8x128xf32, #tpu.memory_space<hbm>>)
    %dma_wait3A_357 = arith.constant 8 : i32
    %dma_wait3A_358 = arith.constant 128 : i32
    %dma_wait3A_359 = tpu.memref_slice %arg9[%dma_wait3A_357, %dma_wait3A_358] : memref<32x512xf32, #tpu.memory_space<vmem>> -> memref<8x128xf32, #tpu.memory_space<vmem>>
    %dma_wait3A_360 = arith.constant 0 : i32
    %dma_wait3A_361 = tpu.memref_slice %arg5[%mul3A_116, %dma_wait3A_360] : memref<4096x128xf32, #tpu.memory_space<hbm>> -> memref<8x128xf32, #tpu.memory_space<hbm>>
    %dma_wait3A_362 = arith.constant 0 : i32
    %dma_wait3A_363 = tpu.memref_slice %arg5[%mul3A_116, %dma_wait3A_362] : memref<4096x128xf32, #tpu.memory_space<hbm>> -> memref<8x128xf32, #tpu.memory_space<hbm>>
    %dma_wait3A_364 = arith.constant 8 : i32
    %dma_wait3A_365 = arith.constant 128 : i32
    %dma_wait3A_366 = tpu.memref_slice %arg9[%dma_wait3A_364, %dma_wait3A_365] : memref<32x512xf32, #tpu.memory_space<vmem>> -> memref<8x128xf32, #tpu.memory_space<vmem>>
    tpu.wait_dma2 semaphore(%arg12 : memref<!tpu.dma_semaphore, #tpu.memory_space<semaphore_mem>>) src(%dma_wait3A_366 : memref<8x128xf32, #tpu.memory_space<vmem>>) dst(%dma_wait3A_363 : memref<8x128xf32, #tpu.memory_space<hbm>>)
    %dma_wait3A_367 = arith.constant 8 : i32
    %dma_wait3A_368 = arith.constant 256 : i32
    %dma_wait3A_369 = tpu.memref_slice %arg9[%dma_wait3A_367, %dma_wait3A_368] : memref<32x512xf32, #tpu.memory_space<vmem>> -> memref<8x128xf32, #tpu.memory_space<vmem>>
    %dma_wait3A_370 = arith.constant 0 : i32
    %dma_wait3A_371 = tpu.memref_slice %arg5[%mul3A_134, %dma_wait3A_370] : memref<4096x128xf32, #tpu.memory_space<hbm>> -> memref<8x128xf32, #tpu.memory_space<hbm>>
    %dma_wait3A_372 = arith.constant 0 : i32
    %dma_wait3A_373 = tpu.memref_slice %arg5[%mul3A_134, %dma_wait3A_372] : memref<4096x128xf32, #tpu.memory_space<hbm>> -> memref<8x128xf32, #tpu.memory_space<hbm>>
    %dma_wait3A_374 = arith.constant 8 : i32
    %dma_wait3A_375 = arith.constant 256 : i32
    %dma_wait3A_376 = tpu.memref_slice %arg9[%dma_wait3A_374, %dma_wait3A_375] : memref<32x512xf32, #tpu.memory_space<vmem>> -> memref<8x128xf32, #tpu.memory_space<vmem>>
    tpu.wait_dma2 semaphore(%arg12 : memref<!tpu.dma_semaphore, #tpu.memory_space<semaphore_mem>>) src(%dma_wait3A_376 : memref<8x128xf32, #tpu.memory_space<vmem>>) dst(%dma_wait3A_373 : memref<8x128xf32, #tpu.memory_space<hbm>>)
    %dma_wait3A_377 = arith.constant 8 : i32
    %dma_wait3A_378 = arith.constant 384 : i32
    %dma_wait3A_379 = tpu.memref_slice %arg9[%dma_wait3A_377, %dma_wait3A_378] : memref<32x512xf32, #tpu.memory_space<vmem>> -> memref<8x128xf32, #tpu.memory_space<vmem>>
    %dma_wait3A_380 = arith.constant 0 : i32
    %dma_wait3A_381 = tpu.memref_slice %arg5[%mul3A_152, %dma_wait3A_380] : memref<4096x128xf32, #tpu.memory_space<hbm>> -> memref<8x128xf32, #tpu.memory_space<hbm>>
    %dma_wait3A_382 = arith.constant 0 : i32
    %dma_wait3A_383 = tpu.memref_slice %arg5[%mul3A_152, %dma_wait3A_382] : memref<4096x128xf32, #tpu.memory_space<hbm>> -> memref<8x128xf32, #tpu.memory_space<hbm>>
    %dma_wait3A_384 = arith.constant 8 : i32
    %dma_wait3A_385 = arith.constant 384 : i32
    %dma_wait3A_386 = tpu.memref_slice %arg9[%dma_wait3A_384, %dma_wait3A_385] : memref<32x512xf32, #tpu.memory_space<vmem>> -> memref<8x128xf32, #tpu.memory_space<vmem>>
    tpu.wait_dma2 semaphore(%arg12 : memref<!tpu.dma_semaphore, #tpu.memory_space<semaphore_mem>>) src(%dma_wait3A_386 : memref<8x128xf32, #tpu.memory_space<vmem>>) dst(%dma_wait3A_383 : memref<8x128xf32, #tpu.memory_space<hbm>>)
    %dma_wait3A_387 = arith.constant 16 : i32
    %dma_wait3A_388 = arith.constant 0 : i32
    %dma_wait3A_389 = tpu.memref_slice %arg9[%dma_wait3A_387, %dma_wait3A_388] : memref<32x512xf32, #tpu.memory_space<vmem>> -> memref<8x128xf32, #tpu.memory_space<vmem>>
    %dma_wait3A_390 = arith.constant 0 : i32
    %dma_wait3A_391 = tpu.memref_slice %arg5[%mul3A_170, %dma_wait3A_390] : memref<4096x128xf32, #tpu.memory_space<hbm>> -> memref<8x128xf32, #tpu.memory_space<hbm>>
    %dma_wait3A_392 = arith.constant 0 : i32
    %dma_wait3A_393 = tpu.memref_slice %arg5[%mul3A_170, %dma_wait3A_392] : memref<4096x128xf32, #tpu.memory_space<hbm>> -> memref<8x128xf32, #tpu.memory_space<hbm>>
    %dma_wait3A_394 = arith.constant 16 : i32
    %dma_wait3A_395 = arith.constant 0 : i32
    %dma_wait3A_396 = tpu.memref_slice %arg9[%dma_wait3A_394, %dma_wait3A_395] : memref<32x512xf32, #tpu.memory_space<vmem>> -> memref<8x128xf32, #tpu.memory_space<vmem>>
    tpu.wait_dma2 semaphore(%arg12 : memref<!tpu.dma_semaphore, #tpu.memory_space<semaphore_mem>>) src(%dma_wait3A_396 : memref<8x128xf32, #tpu.memory_space<vmem>>) dst(%dma_wait3A_393 : memref<8x128xf32, #tpu.memory_space<hbm>>)
    %dma_wait3A_397 = arith.constant 16 : i32
    %dma_wait3A_398 = arith.constant 128 : i32
    %dma_wait3A_399 = tpu.memref_slice %arg9[%dma_wait3A_397, %dma_wait3A_398] : memref<32x512xf32, #tpu.memory_space<vmem>> -> memref<8x128xf32, #tpu.memory_space<vmem>>
    %dma_wait3A_400 = arith.constant 0 : i32
    %dma_wait3A_401 = tpu.memref_slice %arg5[%mul3A_188, %dma_wait3A_400] : memref<4096x128xf32, #tpu.memory_space<hbm>> -> memref<8x128xf32, #tpu.memory_space<hbm>>
    %dma_wait3A_402 = arith.constant 0 : i32
    %dma_wait3A_403 = tpu.memref_slice %arg5[%mul3A_188, %dma_wait3A_402] : memref<4096x128xf32, #tpu.memory_space<hbm>> -> memref<8x128xf32, #tpu.memory_space<hbm>>
    %dma_wait3A_404 = arith.constant 16 : i32
    %dma_wait3A_405 = arith.constant 128 : i32
    %dma_wait3A_406 = tpu.memref_slice %arg9[%dma_wait3A_404, %dma_wait3A_405] : memref<32x512xf32, #tpu.memory_space<vmem>> -> memref<8x128xf32, #tpu.memory_space<vmem>>
    tpu.wait_dma2 semaphore(%arg12 : memref<!tpu.dma_semaphore, #tpu.memory_space<semaphore_mem>>) src(%dma_wait3A_406 : memref<8x128xf32, #tpu.memory_space<vmem>>) dst(%dma_wait3A_403 : memref<8x128xf32, #tpu.memory_space<hbm>>)
    %dma_wait3A_407 = arith.constant 16 : i32
    %dma_wait3A_408 = arith.constant 256 : i32
    %dma_wait3A_409 = tpu.memref_slice %arg9[%dma_wait3A_407, %dma_wait3A_408] : memref<32x512xf32, #tpu.memory_space<vmem>> -> memref<8x128xf32, #tpu.memory_space<vmem>>
    %dma_wait3A_410 = arith.constant 0 : i32
    %dma_wait3A_411 = tpu.memref_slice %arg5[%mul3A_206, %dma_wait3A_410] : memref<4096x128xf32, #tpu.memory_space<hbm>> -> memref<8x128xf32, #tpu.memory_space<hbm>>
    %dma_wait3A_412 = arith.constant 0 : i32
    %dma_wait3A_413 = tpu.memref_slice %arg5[%mul3A_206, %dma_wait3A_412] : memref<4096x128xf32, #tpu.memory_space<hbm>> -> memref<8x128xf32, #tpu.memory_space<hbm>>
    %dma_wait3A_414 = arith.constant 16 : i32
    %dma_wait3A_415 = arith.constant 256 : i32
    %dma_wait3A_416 = tpu.memref_slice %arg9[%dma_wait3A_414, %dma_wait3A_415] : memref<32x512xf32, #tpu.memory_space<vmem>> -> memref<8x128xf32, #tpu.memory_space<vmem>>
    tpu.wait_dma2 semaphore(%arg12 : memref<!tpu.dma_semaphore, #tpu.memory_space<semaphore_mem>>) src(%dma_wait3A_416 : memref<8x128xf32, #tpu.memory_space<vmem>>) dst(%dma_wait3A_413 : memref<8x128xf32, #tpu.memory_space<hbm>>)
    %dma_wait3A_417 = arith.constant 16 : i32
    %dma_wait3A_418 = arith.constant 384 : i32
    %dma_wait3A_419 = tpu.memref_slice %arg9[%dma_wait3A_417, %dma_wait3A_418] : memref<32x512xf32, #tpu.memory_space<vmem>> -> memref<8x128xf32, #tpu.memory_space<vmem>>
    %dma_wait3A_420 = arith.constant 0 : i32
    %dma_wait3A_421 = tpu.memref_slice %arg5[%mul3A_224, %dma_wait3A_420] : memref<4096x128xf32, #tpu.memory_space<hbm>> -> memref<8x128xf32, #tpu.memory_space<hbm>>
    %dma_wait3A_422 = arith.constant 0 : i32
    %dma_wait3A_423 = tpu.memref_slice %arg5[%mul3A_224, %dma_wait3A_422] : memref<4096x128xf32, #tpu.memory_space<hbm>> -> memref<8x128xf32, #tpu.memory_space<hbm>>
    %dma_wait3A_424 = arith.constant 16 : i32
    %dma_wait3A_425 = arith.constant 384 : i32
    %dma_wait3A_426 = tpu.memref_slice %arg9[%dma_wait3A_424, %dma_wait3A_425] : memref<32x512xf32, #tpu.memory_space<vmem>> -> memref<8x128xf32, #tpu.memory_space<vmem>>
    tpu.wait_dma2 semaphore(%arg12 : memref<!tpu.dma_semaphore, #tpu.memory_space<semaphore_mem>>) src(%dma_wait3A_426 : memref<8x128xf32, #tpu.memory_space<vmem>>) dst(%dma_wait3A_423 : memref<8x128xf32, #tpu.memory_space<hbm>>)
    %dma_wait3A_427 = arith.constant 24 : i32
    %dma_wait3A_428 = arith.constant 0 : i32
    %dma_wait3A_429 = tpu.memref_slice %arg9[%dma_wait3A_427, %dma_wait3A_428] : memref<32x512xf32, #tpu.memory_space<vmem>> -> memref<8x128xf32, #tpu.memory_space<vmem>>
    %dma_wait3A_430 = arith.constant 0 : i32
    %dma_wait3A_431 = tpu.memref_slice %arg5[%mul3A_242, %dma_wait3A_430] : memref<4096x128xf32, #tpu.memory_space<hbm>> -> memref<8x128xf32, #tpu.memory_space<hbm>>
    %dma_wait3A_432 = arith.constant 0 : i32
    %dma_wait3A_433 = tpu.memref_slice %arg5[%mul3A_242, %dma_wait3A_432] : memref<4096x128xf32, #tpu.memory_space<hbm>> -> memref<8x128xf32, #tpu.memory_space<hbm>>
    %dma_wait3A_434 = arith.constant 24 : i32
    %dma_wait3A_435 = arith.constant 0 : i32
    %dma_wait3A_436 = tpu.memref_slice %arg9[%dma_wait3A_434, %dma_wait3A_435] : memref<32x512xf32, #tpu.memory_space<vmem>> -> memref<8x128xf32, #tpu.memory_space<vmem>>
    tpu.wait_dma2 semaphore(%arg12 : memref<!tpu.dma_semaphore, #tpu.memory_space<semaphore_mem>>) src(%dma_wait3A_436 : memref<8x128xf32, #tpu.memory_space<vmem>>) dst(%dma_wait3A_433 : memref<8x128xf32, #tpu.memory_space<hbm>>)
    %dma_wait3A_437 = arith.constant 24 : i32
    %dma_wait3A_438 = arith.constant 128 : i32
    %dma_wait3A_439 = tpu.memref_slice %arg9[%dma_wait3A_437, %dma_wait3A_438] : memref<32x512xf32, #tpu.memory_space<vmem>> -> memref<8x128xf32, #tpu.memory_space<vmem>>
    %dma_wait3A_440 = arith.constant 0 : i32
    %dma_wait3A_441 = tpu.memref_slice %arg5[%mul3A_260, %dma_wait3A_440] : memref<4096x128xf32, #tpu.memory_space<hbm>> -> memref<8x128xf32, #tpu.memory_space<hbm>>
    %dma_wait3A_442 = arith.constant 0 : i32
    %dma_wait3A_443 = tpu.memref_slice %arg5[%mul3A_260, %dma_wait3A_442] : memref<4096x128xf32, #tpu.memory_space<hbm>> -> memref<8x128xf32, #tpu.memory_space<hbm>>
    %dma_wait3A_444 = arith.constant 24 : i32
    %dma_wait3A_445 = arith.constant 128 : i32
    %dma_wait3A_446 = tpu.memref_slice %arg9[%dma_wait3A_444, %dma_wait3A_445] : memref<32x512xf32, #tpu.memory_space<vmem>> -> memref<8x128xf32, #tpu.memory_space<vmem>>
    tpu.wait_dma2 semaphore(%arg12 : memref<!tpu.dma_semaphore, #tpu.memory_space<semaphore_mem>>) src(%dma_wait3A_446 : memref<8x128xf32, #tpu.memory_space<vmem>>) dst(%dma_wait3A_443 : memref<8x128xf32, #tpu.memory_space<hbm>>)
    %dma_wait3A_447 = arith.constant 24 : i32
    %dma_wait3A_448 = arith.constant 256 : i32
    %dma_wait3A_449 = tpu.memref_slice %arg9[%dma_wait3A_447, %dma_wait3A_448] : memref<32x512xf32, #tpu.memory_space<vmem>> -> memref<8x128xf32, #tpu.memory_space<vmem>>
    %dma_wait3A_450 = arith.constant 0 : i32
    %dma_wait3A_451 = tpu.memref_slice %arg5[%mul3A_278, %dma_wait3A_450] : memref<4096x128xf32, #tpu.memory_space<hbm>> -> memref<8x128xf32, #tpu.memory_space<hbm>>
    %dma_wait3A_452 = arith.constant 0 : i32
    %dma_wait3A_453 = tpu.memref_slice %arg5[%mul3A_278, %dma_wait3A_452] : memref<4096x128xf32, #tpu.memory_space<hbm>> -> memref<8x128xf32, #tpu.memory_space<hbm>>
    %dma_wait3A_454 = arith.constant 24 : i32
    %dma_wait3A_455 = arith.constant 256 : i32
    %dma_wait3A_456 = tpu.memref_slice %arg9[%dma_wait3A_454, %dma_wait3A_455] : memref<32x512xf32, #tpu.memory_space<vmem>> -> memref<8x128xf32, #tpu.memory_space<vmem>>
    tpu.wait_dma2 semaphore(%arg12 : memref<!tpu.dma_semaphore, #tpu.memory_space<semaphore_mem>>) src(%dma_wait3A_456 : memref<8x128xf32, #tpu.memory_space<vmem>>) dst(%dma_wait3A_453 : memref<8x128xf32, #tpu.memory_space<hbm>>)
    %dma_wait3A_457 = arith.constant 24 : i32
    %dma_wait3A_458 = arith.constant 384 : i32
    %dma_wait3A_459 = tpu.memref_slice %arg9[%dma_wait3A_457, %dma_wait3A_458] : memref<32x512xf32, #tpu.memory_space<vmem>> -> memref<8x128xf32, #tpu.memory_space<vmem>>
    %dma_wait3A_460 = arith.constant 0 : i32
    %dma_wait3A_461 = tpu.memref_slice %arg5[%mul3A_296, %dma_wait3A_460] : memref<4096x128xf32, #tpu.memory_space<hbm>> -> memref<8x128xf32, #tpu.memory_space<hbm>>
    %dma_wait3A_462 = arith.constant 0 : i32
    %dma_wait3A_463 = tpu.memref_slice %arg5[%mul3A_296, %dma_wait3A_462] : memref<4096x128xf32, #tpu.memory_space<hbm>> -> memref<8x128xf32, #tpu.memory_space<hbm>>
    %dma_wait3A_464 = arith.constant 24 : i32
    %dma_wait3A_465 = arith.constant 384 : i32
    %dma_wait3A_466 = tpu.memref_slice %arg9[%dma_wait3A_464, %dma_wait3A_465] : memref<32x512xf32, #tpu.memory_space<vmem>> -> memref<8x128xf32, #tpu.memory_space<vmem>>
    tpu.wait_dma2 semaphore(%arg12 : memref<!tpu.dma_semaphore, #tpu.memory_space<semaphore_mem>>) src(%dma_wait3A_466 : memref<8x128xf32, #tpu.memory_space<vmem>>) dst(%dma_wait3A_463 : memref<8x128xf32, #tpu.memory_space<hbm>>)
    return
  }
}

module attributes {stable_mosaic.version = 14 : i64} {
  func.func @body(%arg0: i32, %arg1: memref<32x16384xf32, #tpu.memory_space<vmem>>, %arg2: memref<64x32xf32, #tpu.memory_space<vmem>>, %arg3: memref<64x1xf32, #tpu.memory_space<vmem>>, %arg4: memref<32x64xf32, #tpu.memory_space<vmem>>, %arg5: memref<32x1xf32, #tpu.memory_space<vmem>>, %arg6: memref<16x32xf32, #tpu.memory_space<vmem>>, %arg7: memref<16x1xf32, #tpu.memory_space<vmem>>, %arg8: memref<1x16xf32, #tpu.memory_space<vmem>>, %arg9: memref<1x16xf32, #tpu.memory_space<vmem>>, %arg10: memref<1xf32, #tpu.memory_space<vmem>>, %arg11: memref<16384xf32, #tpu.memory_space<vmem>>) attributes {dimension_semantics = [#tpu.dimension_semantics<arbitrary>], iteration_bounds = array<i64: 1>, scalar_prefetch = 0 : i64, scratch_operands = 0 : i64, tpu.core_type = #tpu.core_type<tc>, window_params = [{transform_indices = @transform_0, window_bounds = array<i64: 32, 16384>}, {pipeline_mode = #tpu.pipeline_mode<synchronous>, transform_indices = @transform_1, window_bounds = array<i64: 64, 32>}, {pipeline_mode = #tpu.pipeline_mode<synchronous>, transform_indices = @transform_2, window_bounds = array<i64: 64, 1>}, {pipeline_mode = #tpu.pipeline_mode<synchronous>, transform_indices = @transform_3, window_bounds = array<i64: 32, 64>}, {pipeline_mode = #tpu.pipeline_mode<synchronous>, transform_indices = @transform_4, window_bounds = array<i64: 32, 1>}, {pipeline_mode = #tpu.pipeline_mode<synchronous>, transform_indices = @transform_5, window_bounds = array<i64: 16, 32>}, {pipeline_mode = #tpu.pipeline_mode<synchronous>, transform_indices = @transform_6, window_bounds = array<i64: 16, 1>}, {pipeline_mode = #tpu.pipeline_mode<synchronous>, transform_indices = @transform_7, window_bounds = array<i64: 1, 16>}, {pipeline_mode = #tpu.pipeline_mode<synchronous>, transform_indices = @transform_8, window_bounds = array<i64: 1, 16>}, {pipeline_mode = #tpu.pipeline_mode<synchronous>, transform_indices = @transform_9, window_bounds = array<i64: 1>}, {transform_indices = @transform_10, window_bounds = array<i64: 16384>}]} {
    %get3A = arith.constant 0 : index
    %get3A_0 = arith.constant 0 : index
    %get3A_1 = vector.load %arg1[%get3A, %get3A_0] : memref<32x16384xf32, #tpu.memory_space<vmem>>, vector<32x16384xf32>
    %get3A_2 = arith.constant 0 : index
    %get3A_3 = arith.constant 0 : index
    %get3A_4 = vector.load %arg2[%get3A_2, %get3A_3] : memref<64x32xf32, #tpu.memory_space<vmem>>, vector<64x32xf32>
    %dot_general3A = arith.constant dense<0.000000e+00> : vector<64x16384xf32>
    %dot_general3A_5 = tpu.matmul %get3A_4, %get3A_1, %dot_general3A {dimension_numbers = #tpu.dot_dimension_numbers<[1], [0], [0], [1], [0, 0, 1, 1], [], []>, transpose_lhs_hint = false} : vector<64x32xf32>, vector<32x16384xf32>, vector<64x16384xf32> -> vector<64x16384xf32>
    %get3A_6 = arith.constant 0 : index
    %get3A_7 = arith.constant 0 : index
    %get3A_8 = vector.load %arg3[%get3A_6, %get3A_7] : memref<64x1xf32, #tpu.memory_space<vmem>>, vector<64x1xf32>
    %add3A = vector.broadcast %get3A_8 : vector<64x1xf32> to vector<64x16384xf32>
    %add3A_9 = arith.addf %dot_general3A_5, %add3A : vector<64x16384xf32>
    %max3A = arith.constant 0.000000e+00 : f32
    %max3A_10 = vector.broadcast %max3A : f32 to vector<64x16384xf32>
    %max3A_11 = arith.maximumf %add3A_9, %max3A_10 : vector<64x16384xf32>
    %get3A_12 = arith.constant 0 : index
    %get3A_13 = arith.constant 0 : index
    %get3A_14 = vector.load %arg4[%get3A_12, %get3A_13] : memref<32x64xf32, #tpu.memory_space<vmem>>, vector<32x64xf32>
    %dot_general3A_15 = arith.constant dense<0.000000e+00> : vector<32x16384xf32>
    %dot_general3A_16 = tpu.matmul %get3A_14, %max3A_11, %dot_general3A_15 {dimension_numbers = #tpu.dot_dimension_numbers<[1], [0], [0], [1], [0, 0, 1, 1], [], []>, transpose_lhs_hint = false} : vector<32x64xf32>, vector<64x16384xf32>, vector<32x16384xf32> -> vector<32x16384xf32>
    %get3A_17 = arith.constant 0 : index
    %get3A_18 = arith.constant 0 : index
    %get3A_19 = vector.load %arg5[%get3A_17, %get3A_18] : memref<32x1xf32, #tpu.memory_space<vmem>>, vector<32x1xf32>
    %add3A_20 = vector.broadcast %get3A_19 : vector<32x1xf32> to vector<32x16384xf32>
    %add3A_21 = arith.addf %dot_general3A_16, %add3A_20 : vector<32x16384xf32>
    %max3A_22 = arith.constant 0.000000e+00 : f32
    %max3A_23 = vector.broadcast %max3A_22 : f32 to vector<32x16384xf32>
    %max3A_24 = arith.maximumf %add3A_21, %max3A_23 : vector<32x16384xf32>
    %get3A_25 = arith.constant 0 : index
    %get3A_26 = arith.constant 0 : index
    %get3A_27 = vector.load %arg6[%get3A_25, %get3A_26] : memref<16x32xf32, #tpu.memory_space<vmem>>, vector<16x32xf32>
    %dot_general3A_28 = arith.constant dense<0.000000e+00> : vector<16x16384xf32>
    %dot_general3A_29 = tpu.matmul %get3A_27, %max3A_24, %dot_general3A_28 {dimension_numbers = #tpu.dot_dimension_numbers<[1], [0], [0], [1], [0, 0, 1, 1], [], []>, transpose_lhs_hint = false} : vector<16x32xf32>, vector<32x16384xf32>, vector<16x16384xf32> -> vector<16x16384xf32>
    %get3A_30 = arith.constant 0 : index
    %get3A_31 = arith.constant 0 : index
    %get3A_32 = vector.load %arg7[%get3A_30, %get3A_31] : memref<16x1xf32, #tpu.memory_space<vmem>>, vector<16x1xf32>
    %add3A_33 = vector.broadcast %get3A_32 : vector<16x1xf32> to vector<16x16384xf32>
    %add3A_34 = arith.addf %dot_general3A_29, %add3A_33 : vector<16x16384xf32>
    %max3A_35 = arith.constant 0.000000e+00 : f32
    %max3A_36 = vector.broadcast %max3A_35 : f32 to vector<16x16384xf32>
    %max3A_37 = arith.maximumf %add3A_34, %max3A_36 : vector<16x16384xf32>
    %slice3A = vector.extract_strided_slice %get3A_1 {offsets = [0, 0], sizes = [16, 16384], strides = [1, 1]} : vector<32x16384xf32> to vector<16x16384xf32>
    %slice3A_38 = vector.extract_strided_slice %get3A_1 {offsets = [16, 0], sizes = [16, 16384], strides = [1, 1]} : vector<32x16384xf32> to vector<16x16384xf32>
    %mul3A = arith.mulf %slice3A, %slice3A_38 : vector<16x16384xf32>
    %get3A_39 = arith.constant 0 : index
    %get3A_40 = arith.constant 0 : index
    %get3A_41 = vector.load %arg8[%get3A_39, %get3A_40] : memref<1x16xf32, #tpu.memory_space<vmem>>, vector<1x16xf32>
    %dot_general3A_42 = arith.constant dense<0.000000e+00> : vector<1x16384xf32>
    %dot_general3A_43 = tpu.matmul %get3A_41, %mul3A, %dot_general3A_42 {dimension_numbers = #tpu.dot_dimension_numbers<[1], [0], [0], [1], [0, 0, 1, 1], [], []>, transpose_lhs_hint = false} : vector<1x16xf32>, vector<16x16384xf32>, vector<1x16384xf32> -> vector<1x16384xf32>
    %get3A_44 = arith.constant 0 : index
    %get3A_45 = arith.constant 0 : index
    %get3A_46 = vector.load %arg9[%get3A_44, %get3A_45] : memref<1x16xf32, #tpu.memory_space<vmem>>, vector<1x16xf32>
    %dot_general3A_47 = arith.constant dense<0.000000e+00> : vector<1x16384xf32>
    %dot_general3A_48 = tpu.matmul %get3A_46, %max3A_37, %dot_general3A_47 {dimension_numbers = #tpu.dot_dimension_numbers<[1], [0], [0], [1], [0, 0, 1, 1], [], []>, transpose_lhs_hint = false} : vector<1x16xf32>, vector<16x16384xf32>, vector<1x16384xf32> -> vector<1x16384xf32>
    %add3A_49 = arith.addf %dot_general3A_43, %dot_general3A_48 : vector<1x16384xf32>
    %get3A_50 = arith.constant 0 : index
    %get3A_51 = vector.load %arg10[%get3A_50] : memref<1xf32, #tpu.memory_space<vmem>>, vector<1xf32>
    %get3A_52 = vector.extract %get3A_51[0] : f32 from vector<1xf32>
    %add3A_53 = vector.broadcast %get3A_52 : f32 to vector<1x16384xf32>
    %add3A_54 = arith.addf %add3A_49, %add3A_53 : vector<1x16384xf32>
    %squeeze3A = vector.shape_cast %add3A_54 : vector<1x16384xf32> to vector<16384xf32>
    %swap3A = arith.constant 0 : index
    %swap3A_55 = vector.load %arg11[%swap3A] : memref<16384xf32, #tpu.memory_space<vmem>>, vector<16384xf32>
    tpu.vector_store %arg11[%swap3A], %squeeze3A {strides = array<i32>} : memref<16384xf32, #tpu.memory_space<vmem>>, vector<16384xf32>,
    return
  }
  func.func @transform_0(%arg0: i32) -> (i32, i32) {
    %c0_i32 = arith.constant 0 : i32
    %c0_i32_0 = arith.constant 0 : i32
    return %c0_i32, %arg0 : i32, i32
  }
  func.func @transform_1(%arg0: i32) -> (i32, i32) {
    %c0_i32 = arith.constant 0 : i32
    %c0_i32_0 = arith.constant 0 : i32
    %c0_i32_1 = arith.constant 0 : i32
    return %c0_i32, %c0_i32_0 : i32, i32
  }
  func.func @transform_2(%arg0: i32) -> (i32, i32) {
    %c0_i32 = arith.constant 0 : i32
    %c0_i32_0 = arith.constant 0 : i32
    %c0_i32_1 = arith.constant 0 : i32
    return %c0_i32, %c0_i32_0 : i32, i32
  }
  func.func @transform_3(%arg0: i32) -> (i32, i32) {
    %c0_i32 = arith.constant 0 : i32
    %c0_i32_0 = arith.constant 0 : i32
    %c0_i32_1 = arith.constant 0 : i32
    return %c0_i32, %c0_i32_0 : i32, i32
  }
  func.func @transform_4(%arg0: i32) -> (i32, i32) {
    %c0_i32 = arith.constant 0 : i32
    %c0_i32_0 = arith.constant 0 : i32
    %c0_i32_1 = arith.constant 0 : i32
    return %c0_i32, %c0_i32_0 : i32, i32
  }
  func.func @transform_5(%arg0: i32) -> (i32, i32) {
    %c0_i32 = arith.constant 0 : i32
    %c0_i32_0 = arith.constant 0 : i32
    %c0_i32_1 = arith.constant 0 : i32
    return %c0_i32, %c0_i32_0 : i32, i32
  }
  func.func @transform_6(%arg0: i32) -> (i32, i32) {
    %c0_i32 = arith.constant 0 : i32
    %c0_i32_0 = arith.constant 0 : i32
    %c0_i32_1 = arith.constant 0 : i32
    return %c0_i32, %c0_i32_0 : i32, i32
  }
  func.func @transform_7(%arg0: i32) -> (i32, i32) {
    %c0_i32 = arith.constant 0 : i32
    %c0_i32_0 = arith.constant 0 : i32
    %c0_i32_1 = arith.constant 0 : i32
    return %c0_i32, %c0_i32_0 : i32, i32
  }
  func.func @transform_8(%arg0: i32) -> (i32, i32) {
    %c0_i32 = arith.constant 0 : i32
    %c0_i32_0 = arith.constant 0 : i32
    %c0_i32_1 = arith.constant 0 : i32
    return %c0_i32, %c0_i32_0 : i32, i32
  }
  func.func @transform_9(%arg0: i32) -> i32 {
    %c0_i32 = arith.constant 0 : i32
    %c0_i32_0 = arith.constant 0 : i32
    return %c0_i32 : i32
  }
  func.func @transform_10(%arg0: i32) -> i32 {
    %c0_i32 = arith.constant 0 : i32
    return %arg0 : i32
  }
}

</mosaic_0001>

<sc_bundles>
// kernel: kernel.4.cloned.1.call-start
scs
__scs_entry_jumppad:
0x0: {  	(pc) =	sbr.rel $0x88, $3  }
0x1: {  	(tag) =	ssettag $0x0;
	lr =	simm.s32 $0x1  }
0x2: {  	[smem:$0x3F97] =	sst lr;
	_ =	strace $0xD0000000  }
0x3: {  	_ = 	snop  }
0x4: {  	_ = 	snop  }
0x5: {  	_ = 	snop  }
0x6: {  	_ = 	snop  }
0x7: {  	_ = 	snop  }
__scs_overlays_trampoline_lowered:
0x8: {  	[smem:$0x3FA6] =	sst s0  }
0x9: {  	[smem:$0x3FA7] =	sst s1  }
0xa: {  	[smem:$0x3FA8] =	sst s2  }
0xb: {  	[smem:$0x3FA9] =	sst s3  }
0xc: {  	[smem:$0x3FAA] =	sst s4  }
0xd: {  	[smem:$0x3FAB] =	sst s5  }
0xe: {  	[smem:$0x3FAC] =	sst s6  }
0xf: {  	[smem:$0x3FAD] =	sst s7  }
0x10: {  	[smem:$0x3FAE] =	sst s8  }
0x11: {  	[smem:$0x3FAF] =	sst s9;
	s0 =	simm.s32 @!p0 $0x0  }
0x12: {  	s1 =	sld [smem:$0x3F95];
	s0 =	simm.s32 @p0 $0x1  }
0x13: {  	[smem:$0x3FB0] =	sst s0;
	s0 =	simm.s32 @!p1 $0x0  }
0x14: {  	s2 =	sld [smem:$0x3F94];
	s0 =	simm.s32 @p1 $0x1  }
0x15: {  	[smem:$0x3FB1] =	sst s0;
	s0 =	simm.s32 @!p2 $0x0  }
0x16: {  	s3 =	sld [smem:$0x3FDB];
	s0 =	simm.s32 @p2 $0x1  }
0x17: {  	s4 =	simm.s32 $0x1BF5;
	[smem:$0x3FB3] =	sst s0  }
0x18: {  	s0 =	sld [smem:$0x3F96];
	_ =	swait.ge [sflag:s4], $0x0  }
0x19: {  	s7 =	sld [smem:$0x3F97]  }
0x1a: {  	s8 =	sadd.s32 $0xFFFFE003, lr  }
0x1b: {  	s9 =	sadd.s32 $0xFFFFFEF7, lr;
	s5 =	simm.s32 $0xFFFFFFFF;
	p2 =	slt.u32 s8, $0xFFFFF086  }
0x1c: {  	p1 =	slt.u32 s9, $0xF7A;
	s5 =	simm.s32 @!p2 $0x0  }
0x1d: {  	s5 =	simm.s32 @p1 $0x1;
	p0 =	seq.s32 s7, s2  }
0x1e: {  	s7 =	smul.u32 @!p0 $0xF7A, s2;
	p2 =	seq.s32 @!p0 s5, $0x0  }
0x1f: {  	s9 =	smul.u32 $0xF7A, s1;
	s8 =	simm.s32 @!p0 $0x1BF5;
	p2 =	por !p2, p0  }
0x20: {  	[sflag:s8] =	ssyncset.s32 @!p0 $0xFFFFF086;
	s6 =	sadd.s32 @!p0 s3, s7;
	s7 =	simm.s32 @!p0 $0x108  }
0x21: {  	s3 =	sadd.s32 s3, s9;
	s6 =	sadd.s32 @!p0 $0x88, s6;
	s7 =	simm.s32 @p2 $0x1082  }
0x22: {  	[simem:s7], [sflag:s8] =	dma.local @!p0 [hbm:s6], $0xF7A  }
0x23: {  	s9 =	sor.u32 $0xD0000000, s2;
	s6 =	simm.s32 $0x108;
	_ =	swait.ge @!p0 [sflag:s8], $0x0  }
0x24: {  	s3 =	sadd.s32 $0x88, s3;
	s6 =	simm.s32 @!p1 $0x1082;
	[sflag:s4] =	ssyncset.s32 $0xFFFFF086  }
0x25: {  	[simem:s6], [sflag:s4] =	dma.local [hbm:s3], $0xF7A  }
0x26: {  	[smem:$0x3F97] =	sst s1;
	(tag) =	ssettag s2;
	_ =	strace s9  }
0x27: {  	s1 =	sld [smem:$0x3FA7]  }
0x28: {  	s2 =	sld [smem:$0x3FA8]  }
0x29: {  	s4 =	sld [smem:$0x3FAA]  }
0x2a: {  	p0 =	seq.s32 s5, $0x0;
	s5 =	sld [smem:$0x3FAB]  }
0x2b: {  	s6 =	sld [smem:$0x3FAC]  }
0x2c: {  	s7 =	sld [smem:$0x3FAD]  }
0x2d: {  	s3 =	simm.s32 $0x108;
	s8 =	sld [smem:$0x3FAE]  }
0x2e: {  	s3 =	simm.s32 @!p0 $0x1082;
	s9 =	sld [smem:$0x3FAF]  }
0x2f: {  	lr =	sadd.s32 s0, s3;
	s0 =	sld [smem:$0x3FA6]  }
0x30: {  	s3 =	sld [smem:$0x3FA9]  }
0x31: {  	[smem:$0x3FB2] =	sst s10  }
0x32: {  	s10 =	sld [smem:$0x3FB0];
	_ =	sdelay $0x3  }
0x33: {  	p0 =	seq.s32 s10, $0x1;
	s10 =	sld [smem:$0x3FB2];
	_ =	sdelay $0x3  }
0x34: {  	[smem:$0x3FB2] =	sst s10  }
0x35: {  	s10 =	sld [smem:$0x3FB1];
	_ =	sdelay $0x3  }
0x36: {  	p1 =	seq.s32 s10, $0x1;
	s10 =	sld [smem:$0x3FB2];
	_ =	sdelay $0x3  }
0x37: {  	[smem:$0x3FB2] =	sst s10  }
0x38: {  	s10 =	sld [smem:$0x3FB3]  }
0x39: {  	_ = 	snop;
	(pc) =	sbr.ind lr, $3  }
0x3a: {  	_ = 	snop  }
0x3b: {  	_ = 	snop  }
0x3c: {  	p2 =	seq.s32 s10, $0x1;
	s10 =	sld [smem:$0x3FB2]  }
0x3d: {  	_ =	shalt  }
0x3e: {  	_ =	shalt  }
0x3f: {  	_ =	shalt  }
0x40: {  	_ =	shalt  }
0x41: {  	_ =	shalt  }
0x42: {  	_ =	shalt  }
0x43: {  	_ =	shalt  }
0x44: {  	_ =	shalt  }
0x45: {  	_ =	shalt  }
0x46: {  	_ =	shalt  }
0x47: {  	_ =	shalt  }
0x48: {  	_ =	shalt  }
0x49: {  	_ =	shalt  }
0x4a: {  	_ =	shalt  }
0x4b: {  	_ =	shalt  }
0x4c: {  	_ =	shalt  }
0x4d: {  	_ =	shalt  }
0x4e: {  	_ =	shalt  }
0x4f: {  	_ =	shalt  }
0x50: {  	_ =	shalt  }
0x51: {  	_ =	shalt  }
0x52: {  	_ =	shalt  }
0x53: {  	_ =	shalt  }
0x54: {  	_ =	shalt  }
0x55: {  	_ =	shalt  }
0x56: {  	_ =	shalt  }
0x57: {  	_ =	shalt  }
0x58: {  	_ =	shalt  }
0x59: {  	_ =	shalt  }
0x5a: {  	_ =	shalt  }
0x5b: {  	_ =	shalt  }
0x5c: {  	_ =	shalt  }
0x5d: {  	_ =	shalt  }
0x5e: {  	_ =	shalt  }
0x5f: {  	_ =	shalt  }
0x60: {  	_ =	shalt  }
0x61: {  	_ =	shalt  }
0x62: {  	_ =	shalt  }
0x63: {  	_ =	shalt  }
0x64: {  	_ =	shalt  }
0x65: {  	_ =	shalt  }
0x66: {  	_ =	shalt  }
0x67: {  	_ =	shalt  }
0x68: {  	_ =	shalt  }
0x69: {  	_ =	shalt  }
0x6a: {  	_ =	shalt  }
0x6b: {  	_ =	shalt  }
0x6c: {  	_ =	shalt  }
0x6d: {  	_ =	shalt  }
0x6e: {  	_ =	shalt  }
0x6f: {  	_ =	shalt  }
0x70: {  	_ =	shalt  }
0x71: {  	_ =	shalt  }
0x72: {  	_ =	shalt  }
0x73: {  	_ =	shalt  }
0x74: {  	_ =	shalt  }
0x75: {  	_ =	shalt  }
0x76: {  	_ =	shalt  }
0x77: {  	_ =	shalt  }
0x78: {  	_ =	shalt  }
0x79: {  	_ =	shalt  }
0x7a: {  	_ =	shalt  }
0x7b: {  	_ =	shalt  }
0x7c: {  	_ =	shalt  }
0x7d: {  	_ =	shalt  }
0x7e: {  	_ =	shalt  }
0x7f: {  	_ =	shalt  }
0x80: {  	_ =	shalt  }
0x81: {  	_ =	shalt  }
0x82: {  	_ =	shalt  }
0x83: {  	_ =	shalt  }
0x84: {  	_ =	shalt  }
0x85: {  	_ =	shalt  }
0x86: {  	_ =	shalt  }
0x87: {  	_ =	shalt  }
.Lfunc_end0:
.L_simem_size_0:
called_computation_lowered:
.L_overlay_start_0:
0x88: {  	s2 =	sld [smem:$0x3FD9]  }
0x89: {  	s3 =	sld [smem:$0x3FFE];
	_ =	sdelay $0x1  }
0x8a: {  	s1 =	srdreg.scid  }
0x8b: {  	s0 =	sand.u32 $0x1, s1  }
0x8c: {  	s17 =	sshll.u32 s0, $0xA;
	s2 =	sadd.s32 s3, s2  }
0x8d: {  	s2 =	sadd.s32 s2, s17  }
0x8e: {  	[smem:$0x3FBE] =	sst s2  }
0x8f: {  	_ = 	snop  }
0x90: {  	s2 =	sld [smem:$0x3FC8]  }
0x91: {  	s18 =	sld [smem:$0x3FD0];
	(tm) =	ssettm $0x1  }
0x92: {  	s4 =	sld [smem:$0x3FFB];
	_ =	sdelay $0x3  }
0x93: {  	_ =	strace s4  }
0x94: {  	s4 =	sld [smem:$0x3FFC];
	_ =	sdelay $0x3  }
0x95: {  	_ =	strace s4  }
0x96: {  	s4 =	sld [smem:$0x3FFD];
	_ =	sdelay $0x3  }
0x97: {  	_ =	strace s4  }
0x98: {  	_ =	strace $0x8FFFFFFF  }
0x99: {  	s19 =	sld [smem:$0x3FDB];
	_ =	sdelay $0x1  }
0x9a: {  	s5 =	simm.s32 $_scs_section_size  }
0x9b: {  	s6 =	simm.s32 $_size__tile_overlayer_lowered;
	s7 =	simm.s32 $_tile_overlayer_lowered  }
0x9c: {  	s22 =	simm.s32 $0x1BFF;
	s21 =	sshll.u32 s7, $0x1;
	s4 =	sadd.s32 s5, s19  }
0x9d: {  	s8 =	simm.s32 $0x0;
	s20 =	sshll.u32 s6, $0x1;
	s6 =	sadd.s32 s21, s4  }
0x9e: {  	[timem:s8], [sflag:s22] =	dma.local [hbm:s6], s20  }
0x9f: {  	_ =	swait.ge [sflag:s22], s20  }
0xa0: {  	s5 =	ssub.s32 $0x0, s20;
	[sflag:s22] =	ssyncset.done $0x0  }
0xa1: {  	[sflag:s22] =	ssyncadd.s32 s5;
	_ =	sdelay $0x1  }
0xa2: {  	s23 =	simm.s32 $0x1B8B  }
0xa3: {  	_ =	swait.ge [sflag:s23], $0x1  }
0xa4: {  	[sflag:s23] =	ssyncset.done $0x0  }
0xa5: {  	s25 =	simm.s32 $0x1B8E;
	s24 =	sld [smem:$0x3FFE];
	[sflag:s23] =	ssyncadd.s32 $0xFFFFFFFF  }
0xa6: {  	s26 =	simm.s32 $execute0_lowered;
	[smem:$0x3FD2] =	sst s25  }
0xa7: {  	s6 =	sshll.u32 s26, $0x1;
	_ =	strace $0x80000046;
	[dreg:$0x1] =	wrdreg $0xFFFFFFFF  }
0xa8: {  	s28 =	simm.s32 $_size_execute0_lowered;
	s4 =	sadd.s32 s4, s6;
	[dreg:$0x0] =	wrdreg $0x0  }
0xa9: {  	s6 =	sshll.u32 s28, $0x1;
	[dreg:$0x2] =	wrdreg s4  }
0xaa: {  	[dreg:$0x3] =	wrdreg s6  }
0xab: {  	[dreg:$0x4] =	wrdreg $0xC0  }
0xac: {  	_ =	task [dreg:s8], $0x5FFFF  }
0xad: {  	[dreg:$0x1] =	wrdreg $0xFFFFFFFF  }
0xae: {  	[dreg:$0x0] =	wrdreg $0x60  }
0xaf: {  	[dreg:$0x2] =	wrdreg s24  }
0xb0: {  	[dreg:$0x3] =	wrdreg s18  }
0xb1: {  	[dreg:$0x4] =	wrdreg s2  }
0xb2: {  	[dreg:$0x5] =	wrdreg $0x9  }
0xb3: {  	_ =	task.clear_ibuf [dreg:s8], $0x6FFFF;
	_ =	strace $0x90000046  }
0xb4: {  	s29 =	simm.s32 $0x9;
	_ =	strace $0x80000048  }
0xb5: {  	_ =	swait.ge [sflag:s29], $0x1  }
0xb6: {  	[sflag:s29] =	ssyncadd.s32 $0xFFFFFFFF  }
0xb7: {  	_ =	strace $0x90000048  }
0xb8: {  	_ =	sfence  }
0xb9: {  	s30 =	sld [smem:$0x0];
	_ =	sdelay $0x2  }
0xba: {  	s31 =	sshll.u32 s1, $0xD;
	s1 =	sshrl.u32 s1, $0x2  }
0xbb: {  	s3 =	sand.u32 $0x4000, s31;
	s1 =	sadd.s32 s1, s30  }
0xbc: {  	s0 =	sor.u32 s3, s0;
	s1 =	sshll.u32 s1, $0x11  }
0xbd: {  	s0 =	sor.u32 s1, s0  }
0xbe: {  	s0 =	sadd.s32 $0x8F2B, s0  }
0xbf: {  	[sflag:s0] =	ssyncadd.remote.s32 $0x1  }
0xc0: {  	_ =	sfence.sel $0xFFFF  }
0xc1: {  	[dreg:$0x0] =	wrdreg $0xFFFFFFFF;
	(pc) =	sbr.abs _section_cstart, $3  }
0xc2: {  	[dreg:$0x1] =	wrdreg $0xFFFFFFFF  }
0xc3: {  	_ =	task.clear_ibuf [dreg:s8], $0x2FFFF;
	_ =	strace $0x9FFFFFFF  }
0xc4: {  	(tm) =	ssettm $0x7FFFFFFF  }
0xc5: {  	_ =	shalt  }
tec
execute0_lowered:
.L_overlay_start_1:
0x0: {  	(tag) =	ssettag $0x1  }
0x1: {  	s0 =	rddreg [dreg:$0x0]  }
0x2: {  	s1 =	rddreg [dreg:$0x1]  }
0x3: {  	s2 =	rddreg [dreg:$0x2];
	s3 =	simm.s32 $0x0;
	s4 =	srdreg.scid  }
0x4: {  	s5 =	stileid.u32;
	s25 =	simm.s32 $0x80;
	s30 =	simm.s32 $0x2  }
0x5: {  	[smem:$0x7FF] =	sst s3;
	s4 =	sand.u32 $0x1, s4;
	s5 =	sshll.u32 s5, $0x1  }
0x6: {  	s31 =	simm.s32 $0x0;
	_ =	strace $0x80000047;
	s5 =	sor.u32 s4, s5  }
0x7: {  	s4 =	ssub.s32 $0x2, s4;
	s6 =	sshll.u32 s5, $0x6;
	s5 =	sshll.u32 s5, $0x9  }
0x8: {  	s7 =	sshrl.u32 s4, $0x1;
	s8 =	sadd.s32 s6, s0;
	s0 =	sadd.s32 s5, s0  }
0x9: {  	s4 =	ssub.s32 s4, s7;
	s1 =	sadd.s32 s1, s6;
	s26 =	sadd.s32 $0x1800, s8  }
0xa: {  	[dreg:$0x5] =	wrdreg s1;
	s28 =	sadd.s32 $0x2000, s0;
	s7 =	sadd.s32 $0x2080, s0  }
0xb: {  	s8 =	sadd.s32 $0x2100, s0;
	s9 =	sadd.s32 $0x2180, s0;
	s10 =	sadd.s32 $0x6000, s0  }
0xc: {  	s11 =	sadd.s32 $0x6080, s0;
	s12 =	sadd.s32 $0x6100, s0;
	s13 =	sadd.s32 $0x6180, s0  }
0xd: {  	s14 =	sadd.s32 $0xA000, s0;
	s15 =	sadd.s32 $0xA080, s0;
	s16 =	sadd.s32 $0xA100, s0  }
0xe: {  	s17 =	sadd.s32 $0xA180, s0;
	s18 =	sadd.s32 $0xE000, s0;
	[dreg:$0x4] =	wrdreg s26  }
0xf: {  	s19 =	sadd.s32 $0xE080, s0;
	s29 =	smax.u32 s4, $0x1;
	[dreg:$0x6] =	wrdreg s28  }
0x10: {  	s20 =	sadd.s32 $0xE100, s0;
	s21 =	sadd.s32 $0xE180, s0;
	[dreg:$0x7] =	wrdreg s29  }
.LBB2_1:
0x11: {  	s0 =	rddreg [dreg:$0x4];
	s1 =	simm.s32 $0x3  }
0x12: {  	[tilespmem:s3], [sflag:$0x3] =	stream.linear.gather [hbm4b:s0+s3], $0x200, $0x38;
	[tilespmem:$0x8800] =	vst v63  }
0x13: {  	_ =	swait.ge [sflag:s1], $0x200  }
0x14: {  	[sflag:s1] =	ssyncset.done $0x0  }
0x15: {  	s4 =	simm.s32 $0x200;
	s29 =	rddreg [dreg:$0x5];
	[sflag:s1] =	ssyncadd.s32 $0xFFFFFE00  }
0x16: {  	[tilespmem:s4], [sflag:$0x3] =	stream.linear.gather [hbm4b:s29+s3], $0x200, $0x38;
	[tilespmem:$0x8800] =	vst v63  }
0x17: {  	_ =	swait.ge [sflag:s1], $0x200  }
0x18: {  	[sflag:s1] =	ssyncset.done $0x0  }
0x19: {  	s0 =	simm.s32 $0x0;
	[sflag:s1] =	ssyncadd.s32 $0xFFFFFE00  }
0x1a: {  	v1 =	vld [tilespmem:s0+$0x200]  }
0x1b: {  	v0 =	vld [tilespmem:s0+$0x0];
	_ =	sdelay $0x2  }
0x1c: {  	s1 =	simm.s32 $0x40  }
.LBB2_2:
0x1d: {  	s4 =	sshra.s32 s1, $0x2;
	p0 =	sne.s32 s1, $0x7C0;
	s1 =	sadd.s32 $0x40, s1;
	v2 =	vadd.s32 $0xF4240, v1  }
.Ltmp0:
0x1e: {  	v1 =	vld [tilespmem:s4+$0x200];
	v3 =	vshll.u32 v0, $0x3;
	v4 =	vand.u32 $0x7F, v0;
	v5 =	vshll.u32 v2, $0x3;
	(pc) =	sbr.rel @p0 .LBB2_2-.Ltmp0, $4  }
0x1f: {  	v2 =	vand.u32 $0x7F, v2;
	v0 =	vld [tilespmem:s4+$0x0];
	v3 =	vand.u32 $0xFFFFFC00, v3;
	v5 =	vand.u32 $0xFFFFFC00, v5  }
0x20: {  	v3 =	vor.u32 v4, v3;
	v2 =	vor.u32 v2, v5  }
0x21: {  	[tilespmem:s0+$0x600] =	vst v2  }
0x22: {  	[tilespmem:s0+$0x400] =	vst v3;
	s0 =	smov.u32 s4  }
0x23: {  	v1 =	vadd.s32 $0xF4240, v1  }
0x24: {  	v2 =	vshll.u32 v1, $0x3  }
0x25: {  	v3 =	vshll.u32 v0, $0x3;
	v1 =	vand.u32 $0x7F, v1;
	v2 =	vand.u32 $0xFFFFFC00, v2  }
0x26: {  	s1 =	simm.s32 $0x0;
	v0 =	vand.u32 $0x7F, v0;
	v3 =	vand.u32 $0xFFFFFC00, v3;
	v1 =	vor.u32 v1, v2  }
0x27: {  	s5 =	sand.u32 $0x180, s1;
	s1 =	sand.u32 $0x200, s1;
	v0 =	vor.u32 v0, v3;
	[tilespmem:s0+$0x600] =	vst v1  }
0x28: {  	s22 =	sor.u32 s5, s1;
	[tilespmem:s0+$0x400] =	vst v0  }
0x29: {  	v0 =	vld [tilespmem:s22+$0x400];
	_ =	sdelay $0x1  }
0x2a: {  	s24 =	simm.s32 $0x0;
	s4 =	simm.s32 $0x0  }
0x2b: {  	s4 =	sand.u32 $0x380, s4;
	s1 =	sand.u32 $0xF42400, s24  }
0x2c: {  	s23 =	sor.u32 s4, s1  }
0x2d: {  	s24 =	simm.s32 $0x800;
	v0 =	vadd.s32 s23, v0  }
0x2e: {  	[tilespmem:s24+$0x0] =	vst v0  }
0x2f: {  	v0 =	vld [tilespmem:s22+$0x410];
	_ =	sdelay $0x4  }
0x30: {  	v0 =	vadd.s32 s23, v0  }
0x31: {  	[tilespmem:s24+$0x10] =	vst v0  }
0x32: {  	v0 =	vld [tilespmem:s22+$0x420];
	_ =	sdelay $0x4  }
0x33: {  	v0 =	vadd.s32 s23, v0  }
0x34: {  	[tilespmem:s24+$0x20] =	vst v0  }
0x35: {  	v0 =	vld [tilespmem:s22+$0x430];
	_ =	sdelay $0x4  }
0x36: {  	v0 =	vadd.s32 s23, v0  }
0x37: {  	[tilespmem:s24+$0x30] =	vst v0  }
0x38: {  	v0 =	vld [tilespmem:s22+$0x440];
	_ =	sdelay $0x4  }
0x39: {  	v0 =	vadd.s32 s23, v0  }
0x3a: {  	[tilespmem:s24+$0x40] =	vst v0  }
0x3b: {  	v0 =	vld [tilespmem:s22+$0x450];
	_ =	sdelay $0x4  }
0x3c: {  	v0 =	vadd.s32 s23, v0  }
0x3d: {  	[tilespmem:s24+$0x50] =	vst v0  }
0x3e: {  	v0 =	vld [tilespmem:s22+$0x460];
	_ =	sdelay $0x4  }
0x3f: {  	v0 =	vadd.s32 s23, v0  }
0x40: {  	[tilespmem:s24+$0x60] =	vst v0  }
0x41: {  	v0 =	vld [tilespmem:s22+$0x470];
	_ =	sdelay $0x1  }
0x42: {  	s26 =	simm.s32 $0x0;
	s29 =	simm.s32 $0x2  }
0x43: {  	s28 =	simm.s32 $0x800;
	s1 =	sand.u32 $0x3FFFFE00, s26;
	s4 =	simm.s32 $0x80  }
0x44: {  	s0 =	simm.s32 $0x1;
	s26 =	sor.u32 s5, s1;
	s5 =	simm.s32 $0x8  }
0x45: {  	s1 =	sand.u32 $0x180, s4;
	s22 =	sand.u32 $0x200, s5;
	v0 =	vadd.s32 s23, v0;
	s23 =	sadd.s32 $0x4800, s26  }
.LBB2_4:
0x46: {  	p0 =	sne.s32 s29, $0x7F  }
0x47: {  	s26 =	sor.u32 s1, s22;
	[tilespmem:s24+$0x70] =	vst v0;
	s28 =	sadd.s32 $0x80, s28;
	s22 =	smov.u32 s29  }
0x48: {  	[tilespmem:s23], [sflag:$0x1] =	stream.indirect.gather [hbm4b:s2+s25], $0x1, s24, s25, $0xb8;
	[tilespmem:$0x8800] =	vst v63  }
0x49: {  	s29 =	sadd.s32 $0x1, s29;
	s23 =	sshll.u32 s0, $0x1A;
	s24 =	smov.u32 s28;
	v0 =	vld [tilespmem:s26+$0x400]  }
0x4a: {  	s6 =	sshll.u32 s0, $0x5;
	s23 =	sshra.s32 s23, $0x1F  }
0x4b: {  	s6 =	sand.u32 $0x380, s6;
	s23 =	sand.u32 $0xF42400, s23  }
0x4c: {  	s23 =	sor.u32 s6, s23;
	_ =	sdelay $0x1  }
0x4d: {  	v0 =	vadd.s32 s23, v0  }
0x4e: {  	[tilespmem:s28+$0x0] =	vst v0  }
0x4f: {  	v0 =	vld [tilespmem:s26+$0x410];
	_ =	sdelay $0x4  }
0x50: {  	v0 =	vadd.s32 s23, v0  }
0x51: {  	[tilespmem:s28+$0x10] =	vst v0  }
0x52: {  	v0 =	vld [tilespmem:s26+$0x420];
	_ =	sdelay $0x4  }
0x53: {  	v0 =	vadd.s32 s23, v0  }
0x54: {  	[tilespmem:s28+$0x20] =	vst v0  }
0x55: {  	v0 =	vld [tilespmem:s26+$0x430];
	_ =	sdelay $0x4  }
0x56: {  	v0 =	vadd.s32 s23, v0  }
0x57: {  	[tilespmem:s28+$0x30] =	vst v0  }
0x58: {  	v0 =	vld [tilespmem:s26+$0x440];
	_ =	sdelay $0x4  }
0x59: {  	v0 =	vadd.s32 s23, v0  }
0x5a: {  	[tilespmem:s28+$0x40] =	vst v0  }
0x5b: {  	v0 =	vld [tilespmem:s26+$0x450];
	_ =	sdelay $0x4  }
0x5c: {  	v0 =	vadd.s32 s23, v0  }
0x5d: {  	[tilespmem:s28+$0x50] =	vst v0  }
0x5e: {  	v0 =	vld [tilespmem:s26+$0x460];
	_ =	sdelay $0x4  }
0x5f: {  	v0 =	vadd.s32 s23, v0  }
0x60: {  	[tilespmem:s28+$0x60] =	vst v0  }
0x61: {  	v0 =	vld [tilespmem:s26+$0x470]  }
.Ltmp1:
0x62: {  	(pc) =	sbr.rel @p0 .LBB2_4-.Ltmp1, $4  }
0x63: {  	s6 =	sshll.u32 s0, $0x7;
	s0 =	smov.u32 s22  }
0x64: {  	s6 =	sand.u32 $0x3FFFFE00, s6  }
0x65: {  	s5 =	sadd.s32 $0x8, s5;
	s4 =	sadd.s32 $0x80, s4;
	s6 =	sor.u32 s1, s6  }
0x66: {  	s22 =	sand.u32 $0x200, s5;
	s1 =	sand.u32 $0x180, s4;
	v0 =	vadd.s32 s23, v0;
	s23 =	sadd.s32 $0x4800, s6  }
0x67: {  	s4 =	sor.u32 s1, s22;
	[tilespmem:s24+$0x70] =	vst v0  }
0x68: {  	[tilespmem:s23], [sflag:$0x1] =	stream.indirect.gather [hbm4b:s2+s25], $0x1, s24, s25, $0xb8;
	[tilespmem:$0x8800] =	vst v63  }
0x69: {  	v0 =	vld [tilespmem:s4+$0x400]  }
0x6a: {  	s5 =	sshll.u32 s0, $0x1A  }
0x6b: {  	s6 =	sshll.u32 s0, $0x5;
	s5 =	sshra.s32 s5, $0x1F  }
0x6c: {  	s6 =	sand.u32 $0x380, s6;
	s5 =	sand.u32 $0xF42400, s5  }
0x6d: {  	s5 =	sor.u32 s6, s5  }
0x6e: {  	s29 =	sadd.s32 $0x80, s28;
	v0 =	vadd.s32 s5, v0  }
0x6f: {  	[tilespmem:s29+$0x0] =	vst v0  }
0x70: {  	v0 =	vld [tilespmem:s4+$0x410];
	_ =	sdelay $0x4  }
0x71: {  	v0 =	vadd.s32 s5, v0  }
0x72: {  	[tilespmem:s29+$0x10] =	vst v0  }
0x73: {  	v0 =	vld [tilespmem:s4+$0x420];
	_ =	sdelay $0x4  }
0x74: {  	v0 =	vadd.s32 s5, v0  }
0x75: {  	[tilespmem:s29+$0x20] =	vst v0  }
0x76: {  	v0 =	vld [tilespmem:s4+$0x430];
	_ =	sdelay $0x4  }
0x77: {  	v0 =	vadd.s32 s5, v0  }
0x78: {  	[tilespmem:s29+$0x30] =	vst v0  }
0x79: {  	v0 =	vld [tilespmem:s4+$0x440];
	_ =	sdelay $0x4  }
0x7a: {  	v0 =	vadd.s32 s5, v0  }
0x7b: {  	[tilespmem:s29+$0x40] =	vst v0  }
0x7c: {  	v0 =	vld [tilespmem:s4+$0x450];
	_ =	sdelay $0x4  }
0x7d: {  	v0 =	vadd.s32 s5, v0  }
0x7e: {  	[tilespmem:s29+$0x50] =	vst v0  }
0x7f: {  	v0 =	vld [tilespmem:s4+$0x460];
	_ =	sdelay $0x4  }
0x80: {  	v0 =	vadd.s32 s5, v0  }
0x81: {  	[tilespmem:s29+$0x60] =	vst v0  }
0x82: {  	v0 =	vld [tilespmem:s4+$0x470];
	_ =	sdelay $0x2  }
0x83: {  	s4 =	sshll.u32 s0, $0x7  }
0x84: {  	s0 =	sand.u32 $0x3FFFFE00, s4  }
0x85: {  	s0 =	sor.u32 s1, s0;
	v0 =	vadd.s32 s5, v0  }
0x86: {  	s0 =	sadd.s32 $0x4800, s0;
	s5 =	simm.s32 $0x1;
	[tilespmem:s29+$0x70] =	vst v0  }
0x87: {  	[tilespmem:s0], [sflag:$0x1] =	stream.indirect.gather [hbm4b:s2+s25], $0x1, s29, s25, $0xb8;
	[tilespmem:$0x8800] =	vst v63  }
0x88: {  	_ =	swait.ge [sflag:s5], $0x4000  }
0x89: {  	[sflag:s5] =	ssyncset.done $0x0  }
0x8a: {  	s6 =	simm.s32 $0x4800;
	s1 =	rddreg [dreg:$0x6];
	[sflag:s5] =	ssyncadd.s32 $0xFFFFC000  }
0x8b: {  	[hbm4b:s1+s3] =	stream.linear.scatter [tilespmem:s6], [sflag:$0x2], $0x80, $0x38;
	[tilespmem:$0x8800] =	vst v63  }
0x8c: {  	s23 =	simm.s32 $0x4A00;
	s22 =	sadd.s32 $0x10, s1  }
0x8d: {  	[hbm4b:s22+s3] =	stream.linear.scatter [tilespmem:s23], [sflag:$0x2], $0x80, $0x38;
	[tilespmem:$0x8800] =	vst v63  }
0x8e: {  	s26 =	simm.s32 $0x4C00;
	s24 =	sadd.s32 $0x20, s1  }
0x8f: {  	[hbm4b:s24+s3] =	stream.linear.scatter [tilespmem:s26], [sflag:$0x2], $0x80, $0x38;
	[tilespmem:$0x8800] =	vst v63  }
0x90: {  	s29 =	simm.s32 $0x4E00;
	s28 =	sadd.s32 $0x30, s1  }
0x91: {  	[hbm4b:s28+s3] =	stream.linear.scatter [tilespmem:s29], [sflag:$0x2], $0x80, $0x38;
	[tilespmem:$0x8800] =	vst v63  }
0x92: {  	s4 =	sadd.s32 $0x40, s1;
	s5 =	simm.s32 $0x5000  }
0x93: {  	[hbm4b:s4+s3] =	stream.linear.scatter [tilespmem:s5], [sflag:$0x2], $0x80, $0x38;
	[tilespmem:$0x8800] =	vst v63  }
0x94: {  	s6 =	sadd.s32 $0x50, s1;
	s22 =	simm.s32 $0x5200  }
0x95: {  	[hbm4b:s6+s3] =	stream.linear.scatter [tilespmem:s22], [sflag:$0x2], $0x80, $0x38;
	[tilespmem:$0x8800] =	vst v63  }
0x96: {  	s23 =	sadd.s32 $0x60, s1;
	s24 =	simm.s32 $0x5400  }
0x97: {  	[hbm4b:s23+s3] =	stream.linear.scatter [tilespmem:s24], [sflag:$0x2], $0x80, $0x38;
	[tilespmem:$0x8800] =	vst v63  }
0x98: {  	s26 =	sadd.s32 $0x70, s1;
	s28 =	simm.s32 $0x5600  }
0x99: {  	[hbm4b:s26+s3] =	stream.linear.scatter [tilespmem:s28], [sflag:$0x2], $0x80, $0x38;
	[tilespmem:$0x8800] =	vst v63  }
0x9a: {  	s29 =	simm.s32 $0x4880  }
0x9b: {  	[hbm4b:s7+s3] =	stream.linear.scatter [tilespmem:s29], [sflag:$0x2], $0x80, $0x38;
	[tilespmem:$0x8800] =	vst v63  }
0x9c: {  	s1 =	sadd.s32 $0x10, s7;
	s4 =	simm.s32 $0x4A80  }
0x9d: {  	[hbm4b:s1+s3] =	stream.linear.scatter [tilespmem:s4], [sflag:$0x2], $0x80, $0x38;
	[tilespmem:$0x8800] =	vst v63  }
0x9e: {  	s5 =	sadd.s32 $0x20, s7;
	s6 =	simm.s32 $0x4C80  }
0x9f: {  	[hbm4b:s5+s3] =	stream.linear.scatter [tilespmem:s6], [sflag:$0x2], $0x80, $0x38;
	[tilespmem:$0x8800] =	vst v63  }
0xa0: {  	s22 =	sadd.s32 $0x30, s7;
	s23 =	simm.s32 $0x4E80  }
0xa1: {  	[hbm4b:s22+s3] =	stream.linear.scatter [tilespmem:s23], [sflag:$0x2], $0x80, $0x38;
	[tilespmem:$0x8800] =	vst v63  }
0xa2: {  	s24 =	sadd.s32 $0x40, s7;
	s26 =	simm.s32 $0x5080  }
0xa3: {  	[hbm4b:s24+s3] =	stream.linear.scatter [tilespmem:s26], [sflag:$0x2], $0x80, $0x38;
	[tilespmem:$0x8800] =	vst v63  }
0xa4: {  	s28 =	sadd.s32 $0x50, s7;
	s29 =	simm.s32 $0x5280  }
0xa5: {  	[hbm4b:s28+s3] =	stream.linear.scatter [tilespmem:s29], [sflag:$0x2], $0x80, $0x38;
	[tilespmem:$0x8800] =	vst v63  }
0xa6: {  	s4 =	sadd.s32 $0x60, s7;
	s5 =	simm.s32 $0x5480  }
0xa7: {  	[hbm4b:s4+s3] =	stream.linear.scatter [tilespmem:s5], [sflag:$0x2], $0x80, $0x38;
	[tilespmem:$0x8800] =	vst v63  }
0xa8: {  	s6 =	sadd.s32 $0x70, s7;
	s22 =	simm.s32 $0x5680  }
0xa9: {  	[hbm4b:s6+s3] =	stream.linear.scatter [tilespmem:s22], [sflag:$0x2], $0x80, $0x38;
	[tilespmem:$0x8800] =	vst v63  }
0xaa: {  	s23 =	simm.s32 $0x4900  }
0xab: {  	[hbm4b:s8+s3] =	stream.linear.scatter [tilespmem:s23], [sflag:$0x2], $0x80, $0x38;
	[tilespmem:$0x8800] =	vst v63  }
0xac: {  	s24 =	sadd.s32 $0x10, s8;
	s26 =	simm.s32 $0x4B00  }
0xad: {  	[hbm4b:s24+s3] =	stream.linear.scatter [tilespmem:s26], [sflag:$0x2], $0x80, $0x38;
	[tilespmem:$0x8800] =	vst v63  }
0xae: {  	s28 =	sadd.s32 $0x20, s8;
	s29 =	simm.s32 $0x4D00  }
0xaf: {  	[hbm4b:s28+s3] =	stream.linear.scatter [tilespmem:s29], [sflag:$0x2], $0x80, $0x38;
	[tilespmem:$0x8800] =	vst v63  }
0xb0: {  	s1 =	sadd.s32 $0x30, s8;
	s4 =	simm.s32 $0x4F00  }
0xb1: {  	[hbm4b:s1+s3] =	stream.linear.scatter [tilespmem:s4], [sflag:$0x2], $0x80, $0x38;
	[tilespmem:$0x8800] =	vst v63  }
0xb2: {  	s5 =	sadd.s32 $0x40, s8;
	s6 =	simm.s32 $0x5100  }
0xb3: {  	[hbm4b:s5+s3] =	stream.linear.scatter [tilespmem:s6], [sflag:$0x2], $0x80, $0x38;
	[tilespmem:$0x8800] =	vst v63  }
0xb4: {  	s22 =	sadd.s32 $0x50, s8;
	s23 =	simm.s32 $0x5300  }
0xb5: {  	[hbm4b:s22+s3] =	stream.linear.scatter [tilespmem:s23], [sflag:$0x2], $0x80, $0x38;
	[tilespmem:$0x8800] =	vst v63  }
0xb6: {  	s24 =	sadd.s32 $0x60, s8;
	s26 =	simm.s32 $0x5500  }
0xb7: {  	[hbm4b:s24+s3] =	stream.linear.scatter [tilespmem:s26], [sflag:$0x2], $0x80, $0x38;
	[tilespmem:$0x8800] =	vst v63  }
0xb8: {  	s28 =	sadd.s32 $0x70, s8;
	s29 =	simm.s32 $0x5700  }
0xb9: {  	[hbm4b:s28+s3] =	stream.linear.scatter [tilespmem:s29], [sflag:$0x2], $0x80, $0x38;
	[tilespmem:$0x8800] =	vst v63  }
0xba: {  	s4 =	simm.s32 $0x4980  }
0xbb: {  	[hbm4b:s9+s3] =	stream.linear.scatter [tilespmem:s4], [sflag:$0x2], $0x80, $0x38;
	[tilespmem:$0x8800] =	vst v63  }
0xbc: {  	s5 =	sadd.s32 $0x10, s9;
	s6 =	simm.s32 $0x4B80  }
0xbd: {  	[hbm4b:s5+s3] =	stream.linear.scatter [tilespmem:s6], [sflag:$0x2], $0x80, $0x38;
	[tilespmem:$0x8800] =	vst v63  }
0xbe: {  	s22 =	sadd.s32 $0x20, s9;
	s23 =	simm.s32 $0x4D80  }
0xbf: {  	[hbm4b:s22+s3] =	stream.linear.scatter [tilespmem:s23], [sflag:$0x2], $0x80, $0x38;
	[tilespmem:$0x8800] =	vst v63  }
0xc0: {  	s24 =	sadd.s32 $0x30, s9;
	s26 =	simm.s32 $0x4F80  }
0xc1: {  	[hbm4b:s24+s3] =	stream.linear.scatter [tilespmem:s26], [sflag:$0x2], $0x80, $0x38;
	[tilespmem:$0x8800] =	vst v63  }
0xc2: {  	s28 =	sadd.s32 $0x40, s9;
	s29 =	simm.s32 $0x5180  }
0xc3: {  	[hbm4b:s28+s3] =	stream.linear.scatter [tilespmem:s29], [sflag:$0x2], $0x80, $0x38;
	[tilespmem:$0x8800] =	vst v63  }
0xc4: {  	s4 =	sadd.s32 $0x50, s9;
	s5 =	simm.s32 $0x5380  }
0xc5: {  	[hbm4b:s4+s3] =	stream.linear.scatter [tilespmem:s5], [sflag:$0x2], $0x80, $0x38;
	[tilespmem:$0x8800] =	vst v63  }
0xc6: {  	s6 =	sadd.s32 $0x60, s9;
	s22 =	simm.s32 $0x5580  }
0xc7: {  	[hbm4b:s6+s3] =	stream.linear.scatter [tilespmem:s22], [sflag:$0x2], $0x80, $0x38;
	[tilespmem:$0x8800] =	vst v63  }
0xc8: {  	s23 =	sadd.s32 $0x70, s9;
	s24 =	simm.s32 $0x5780  }
0xc9: {  	[hbm4b:s23+s3] =	stream.linear.scatter [tilespmem:s24], [sflag:$0x2], $0x80, $0x38;
	[tilespmem:$0x8800] =	vst v63  }
0xca: {  	s26 =	simm.s32 $0x5800  }
0xcb: {  	[hbm4b:s10+s3] =	stream.linear.scatter [tilespmem:s26], [sflag:$0x2], $0x80, $0x38;
	[tilespmem:$0x8800] =	vst v63  }
0xcc: {  	s28 =	sadd.s32 $0x10, s10;
	s29 =	simm.s32 $0x5A00  }
0xcd: {  	[hbm4b:s28+s3] =	stream.linear.scatter [tilespmem:s29], [sflag:$0x2], $0x80, $0x38;
	[tilespmem:$0x8800] =	vst v63  }
0xce: {  	s1 =	sadd.s32 $0x20, s10;
	s4 =	simm.s32 $0x5C00  }
0xcf: {  	[hbm4b:s1+s3] =	stream.linear.scatter [tilespmem:s4], [sflag:$0x2], $0x80, $0x38;
	[tilespmem:$0x8800] =	vst v63  }
0xd0: {  	s5 =	sadd.s32 $0x30, s10;
	s6 =	simm.s32 $0x5E00  }
0xd1: {  	[hbm4b:s5+s3] =	stream.linear.scatter [tilespmem:s6], [sflag:$0x2], $0x80, $0x38;
	[tilespmem:$0x8800] =	vst v63  }
0xd2: {  	s22 =	sadd.s32 $0x40, s10;
	s23 =	simm.s32 $0x6000  }
0xd3: {  	[hbm4b:s22+s3] =	stream.linear.scatter [tilespmem:s23], [sflag:$0x2], $0x80, $0x38;
	[tilespmem:$0x8800] =	vst v63  }
0xd4: {  	s24 =	sadd.s32 $0x50, s10;
	s26 =	simm.s32 $0x6200  }
0xd5: {  	[hbm4b:s24+s3] =	stream.linear.scatter [tilespmem:s26], [sflag:$0x2], $0x80, $0x38;
	[tilespmem:$0x8800] =	vst v63  }
0xd6: {  	s28 =	sadd.s32 $0x60, s10;
	s29 =	simm.s32 $0x6400  }
0xd7: {  	[hbm4b:s28+s3] =	stream.linear.scatter [tilespmem:s29], [sflag:$0x2], $0x80, $0x38;
	[tilespmem:$0x8800] =	vst v63  }
0xd8: {  	s4 =	sadd.s32 $0x70, s10;
	s5 =	simm.s32 $0x6600  }
0xd9: {  	[hbm4b:s4+s3] =	stream.linear.scatter [tilespmem:s5], [sflag:$0x2], $0x80, $0x38;
	[tilespmem:$0x8800] =	vst v63  }
0xda: {  	s6 =	simm.s32 $0x5880  }
0xdb: {  	[hbm4b:s11+s3] =	stream.linear.scatter [tilespmem:s6], [sflag:$0x2], $0x80, $0x38;
	[tilespmem:$0x8800] =	vst v63  }
0xdc: {  	s22 =	sadd.s32 $0x10, s11;
	s23 =	simm.s32 $0x5A80  }
0xdd: {  	[hbm4b:s22+s3] =	stream.linear.scatter [tilespmem:s23], [sflag:$0x2], $0x80, $0x38;
	[tilespmem:$0x8800] =	vst v63  }
0xde: {  	s24 =	sadd.s32 $0x20, s11;
	s26 =	simm.s32 $0x5C80  }
0xdf: {  	[hbm4b:s24+s3] =	stream.linear.scatter [tilespmem:s26], [sflag:$0x2], $0x80, $0x38;
	[tilespmem:$0x8800] =	vst v63  }
0xe0: {  	s28 =	sadd.s32 $0x30, s11;
	s29 =	simm.s32 $0x5E80  }
0xe1: {  	[hbm4b:s28+s3] =	stream.linear.scatter [tilespmem:s29], [sflag:$0x2], $0x80, $0x38;
	[tilespmem:$0x8800] =	vst v63  }
0xe2: {  	s4 =	sadd.s32 $0x40, s11;
	s5 =	simm.s32 $0x6080  }
0xe3: {  	[hbm4b:s4+s3] =	stream.linear.scatter [tilespmem:s5], [sflag:$0x2], $0x80, $0x38;
	[tilespmem:$0x8800] =	vst v63  }
0xe4: {  	s6 =	sadd.s32 $0x50, s11;
	s22 =	simm.s32 $0x6280  }
0xe5: {  	[hbm4b:s6+s3] =	stream.linear.scatter [tilespmem:s22], [sflag:$0x2], $0x80, $0x38;
	[tilespmem:$0x8800] =	vst v63  }
0xe6: {  	s23 =	sadd.s32 $0x60, s11;
	s24 =	simm.s32 $0x6480  }
0xe7: {  	[hbm4b:s23+s3] =	stream.linear.scatter [tilespmem:s24], [sflag:$0x2], $0x80, $0x38;
	[tilespmem:$0x8800] =	vst v63  }
0xe8: {  	s26 =	sadd.s32 $0x70, s11;
	s28 =	simm.s32 $0x6680  }
0xe9: {  	[hbm4b:s26+s3] =	stream.linear.scatter [tilespmem:s28], [sflag:$0x2], $0x80, $0x38;
	[tilespmem:$0x8800] =	vst v63  }
0xea: {  	s29 =	simm.s32 $0x5900  }
0xeb: {  	[hbm4b:s12+s3] =	stream.linear.scatter [tilespmem:s29], [sflag:$0x2], $0x80, $0x38;
	[tilespmem:$0x8800] =	vst v63  }
0xec: {  	s1 =	sadd.s32 $0x10, s12;
	s4 =	simm.s32 $0x5B00  }
0xed: {  	[hbm4b:s1+s3] =	stream.linear.scatter [tilespmem:s4], [sflag:$0x2], $0x80, $0x38;
	[tilespmem:$0x8800] =	vst v63  }
0xee: {  	s5 =	sadd.s32 $0x20, s12;
	s6 =	simm.s32 $0x5D00  }
0xef: {  	[hbm4b:s5+s3] =	stream.linear.scatter [tilespmem:s6], [sflag:$0x2], $0x80, $0x38;
	[tilespmem:$0x8800] =	vst v63  }
0xf0: {  	s22 =	sadd.s32 $0x30, s12;
	s23 =	simm.s32 $0x5F00  }
0xf1: {  	[hbm4b:s22+s3] =	stream.linear.scatter [tilespmem:s23], [sflag:$0x2], $0x80, $0x38;
	[tilespmem:$0x8800] =	vst v63  }
0xf2: {  	s24 =	sadd.s32 $0x40, s12;
	s26 =	simm.s32 $0x6100  }
0xf3: {  	[hbm4b:s24+s3] =	stream.linear.scatter [tilespmem:s26], [sflag:$0x2], $0x80, $0x38;
	[tilespmem:$0x8800] =	vst v63  }
0xf4: {  	s28 =	sadd.s32 $0x50, s12;
	s29 =	simm.s32 $0x6300  }
0xf5: {  	[hbm4b:s28+s3] =	stream.linear.scatter [tilespmem:s29], [sflag:$0x2], $0x80, $0x38;
	[tilespmem:$0x8800] =	vst v63  }
0xf6: {  	s4 =	sadd.s32 $0x60, s12;
	s5 =	simm.s32 $0x6500  }
0xf7: {  	[hbm4b:s4+s3] =	stream.linear.scatter [tilespmem:s5], [sflag:$0x2], $0x80, $0x38;
	[tilespmem:$0x8800] =	vst v63  }
0xf8: {  	s6 =	sadd.s32 $0x70, s12;
	s22 =	simm.s32 $0x6700  }
0xf9: {  	[hbm4b:s6+s3] =	stream.linear.scatter [tilespmem:s22], [sflag:$0x2], $0x80, $0x38;
	[tilespmem:$0x8800] =	vst v63  }
0xfa: {  	s23 =	simm.s32 $0x5980  }
0xfb: {  	[hbm4b:s13+s3] =	stream.linear.scatter [tilespmem:s23], [sflag:$0x2], $0x80, $0x38;
	[tilespmem:$0x8800] =	vst v63  }
0xfc: {  	s24 =	sadd.s32 $0x10, s13;
	s26 =	simm.s32 $0x5B80  }
0xfd: {  	[hbm4b:s24+s3] =	stream.linear.scatter [tilespmem:s26], [sflag:$0x2], $0x80, $0x38;
	[tilespmem:$0x8800] =	vst v63  }
0xfe: {  	s28 =	sadd.s32 $0x20, s13;
	s29 =	simm.s32 $0x5D80  }
0xff: {  	[hbm4b:s28+s3] =	stream.linear.scatter [tilespmem:s29], [sflag:$0x2], $0x80, $0x38;
	[tilespmem:$0x8800] =	vst v63  }
0x100: {  	s1 =	sadd.s32 $0x30, s13;
	s4 =	simm.s32 $0x5F80  }
0x101: {  	[hbm4b:s1+s3] =	stream.linear.scatter [tilespmem:s4], [sflag:$0x2], $0x80, $0x38;
	[tilespmem:$0x8800] =	vst v63  }
0x102: {  	s5 =	sadd.s32 $0x40, s13;
	s6 =	simm.s32 $0x6180  }
0x103: {  	[hbm4b:s5+s3] =	stream.linear.scatter [tilespmem:s6], [sflag:$0x2], $0x80, $0x38;
	[tilespmem:$0x8800] =	vst v63  }
0x104: {  	s22 =	sadd.s32 $0x50, s13;
	s23 =	simm.s32 $0x6380  }
0x105: {  	[hbm4b:s22+s3] =	stream.linear.scatter [tilespmem:s23], [sflag:$0x2], $0x80, $0x38;
	[tilespmem:$0x8800] =	vst v63  }
0x106: {  	s24 =	sadd.s32 $0x60, s13;
	s26 =	simm.s32 $0x6580  }
0x107: {  	[hbm4b:s24+s3] =	stream.linear.scatter [tilespmem:s26], [sflag:$0x2], $0x80, $0x38;
	[tilespmem:$0x8800] =	vst v63  }
0x108: {  	s28 =	sadd.s32 $0x70, s13;
	s29 =	simm.s32 $0x6780  }
0x109: {  	[hbm4b:s28+s3] =	stream.linear.scatter [tilespmem:s29], [sflag:$0x2], $0x80, $0x38;
	[tilespmem:$0x8800] =	vst v63  }
0x10a: {  	s4 =	simm.s32 $0x6800  }
0x10b: {  	[hbm4b:s14+s3] =	stream.linear.scatter [tilespmem:s4], [sflag:$0x2], $0x80, $0x38;
	[tilespmem:$0x8800] =	vst v63  }
0x10c: {  	s5 =	sadd.s32 $0x10, s14;
	s6 =	simm.s32 $0x6A00  }
0x10d: {  	[hbm4b:s5+s3] =	stream.linear.scatter [tilespmem:s6], [sflag:$0x2], $0x80, $0x38;
	[tilespmem:$0x8800] =	vst v63  }
0x10e: {  	s22 =	sadd.s32 $0x20, s14;
	s23 =	simm.s32 $0x6C00  }
0x10f: {  	[hbm4b:s22+s3] =	stream.linear.scatter [tilespmem:s23], [sflag:$0x2], $0x80, $0x38;
	[tilespmem:$0x8800] =	vst v63  }
0x110: {  	s24 =	sadd.s32 $0x30, s14;
	s26 =	simm.s32 $0x6E00  }
0x111: {  	[hbm4b:s24+s3] =	stream.linear.scatter [tilespmem:s26], [sflag:$0x2], $0x80, $0x38;
	[tilespmem:$0x8800] =	vst v63  }
0x112: {  	s28 =	sadd.s32 $0x40, s14;
	s29 =	simm.s32 $0x7000  }
0x113: {  	[hbm4b:s28+s3] =	stream.linear.scatter [tilespmem:s29], [sflag:$0x2], $0x80, $0x38;
	[tilespmem:$0x8800] =	vst v63  }
0x114: {  	s4 =	sadd.s32 $0x50, s14;
	s5 =	simm.s32 $0x7200  }
0x115: {  	[hbm4b:s4+s3] =	stream.linear.scatter [tilespmem:s5], [sflag:$0x2], $0x80, $0x38;
	[tilespmem:$0x8800] =	vst v63  }
0x116: {  	s6 =	sadd.s32 $0x60, s14;
	s22 =	simm.s32 $0x7400  }
0x117: {  	[hbm4b:s6+s3] =	stream.linear.scatter [tilespmem:s22], [sflag:$0x2], $0x80, $0x38;
	[tilespmem:$0x8800] =	vst v63  }
0x118: {  	s23 =	sadd.s32 $0x70, s14;
	s24 =	simm.s32 $0x7600  }
0x119: {  	[hbm4b:s23+s3] =	stream.linear.scatter [tilespmem:s24], [sflag:$0x2], $0x80, $0x38;
	[tilespmem:$0x8800] =	vst v63  }
0x11a: {  	s26 =	simm.s32 $0x6880  }
0x11b: {  	[hbm4b:s15+s3] =	stream.linear.scatter [tilespmem:s26], [sflag:$0x2], $0x80, $0x38;
	[tilespmem:$0x8800] =	vst v63  }
0x11c: {  	s28 =	sadd.s32 $0x10, s15;
	s29 =	simm.s32 $0x6A80  }
0x11d: {  	[hbm4b:s28+s3] =	stream.linear.scatter [tilespmem:s29], [sflag:$0x2], $0x80, $0x38;
	[tilespmem:$0x8800] =	vst v63  }
0x11e: {  	s1 =	sadd.s32 $0x20, s15;
	s4 =	simm.s32 $0x6C80  }
0x11f: {  	[hbm4b:s1+s3] =	stream.linear.scatter [tilespmem:s4], [sflag:$0x2], $0x80, $0x38;
	[tilespmem:$0x8800] =	vst v63  }
0x120: {  	s5 =	sadd.s32 $0x30, s15;
	s6 =	simm.s32 $0x6E80  }
0x121: {  	[hbm4b:s5+s3] =	stream.linear.scatter [tilespmem:s6], [sflag:$0x2], $0x80, $0x38;
	[tilespmem:$0x8800] =	vst v63  }
0x122: {  	s22 =	sadd.s32 $0x40, s15;
	s23 =	simm.s32 $0x7080  }
0x123: {  	[hbm4b:s22+s3] =	stream.linear.scatter [tilespmem:s23], [sflag:$0x2], $0x80, $0x38;
	[tilespmem:$0x8800] =	vst v63  }
0x124: {  	s24 =	sadd.s32 $0x50, s15;
	s26 =	simm.s32 $0x7280  }
0x125: {  	[hbm4b:s24+s3] =	stream.linear.scatter [tilespmem:s26], [sflag:$0x2], $0x80, $0x38;
	[tilespmem:$0x8800] =	vst v63  }
0x126: {  	s28 =	sadd.s32 $0x60, s15;
	s29 =	simm.s32 $0x7480  }
0x127: {  	[hbm4b:s28+s3] =	stream.linear.scatter [tilespmem:s29], [sflag:$0x2], $0x80, $0x38;
	[tilespmem:$0x8800] =	vst v63  }
0x128: {  	s4 =	sadd.s32 $0x70, s15;
	s5 =	simm.s32 $0x7680  }
0x129: {  	[hbm4b:s4+s3] =	stream.linear.scatter [tilespmem:s5], [sflag:$0x2], $0x80, $0x38;
	[tilespmem:$0x8800] =	vst v63  }
0x12a: {  	s6 =	simm.s32 $0x6900  }
0x12b: {  	[hbm4b:s16+s3] =	stream.linear.scatter [tilespmem:s6], [sflag:$0x2], $0x80, $0x38;
	[tilespmem:$0x8800] =	vst v63  }
0x12c: {  	s22 =	sadd.s32 $0x10, s16;
	s23 =	simm.s32 $0x6B00  }
0x12d: {  	[hbm4b:s22+s3] =	stream.linear.scatter [tilespmem:s23], [sflag:$0x2], $0x80, $0x38;
	[tilespmem:$0x8800] =	vst v63  }
0x12e: {  	s24 =	sadd.s32 $0x20, s16;
	s26 =	simm.s32 $0x6D00  }
0x12f: {  	[hbm4b:s24+s3] =	stream.linear.scatter [tilespmem:s26], [sflag:$0x2], $0x80, $0x38;
	[tilespmem:$0x8800] =	vst v63  }
0x130: {  	s28 =	sadd.s32 $0x30, s16;
	s29 =	simm.s32 $0x6F00  }
0x131: {  	[hbm4b:s28+s3] =	stream.linear.scatter [tilespmem:s29], [sflag:$0x2], $0x80, $0x38;
	[tilespmem:$0x8800] =	vst v63  }
0x132: {  	s4 =	sadd.s32 $0x40, s16;
	s5 =	simm.s32 $0x7100  }
0x133: {  	[hbm4b:s4+s3] =	stream.linear.scatter [tilespmem:s5], [sflag:$0x2], $0x80, $0x38;
	[tilespmem:$0x8800] =	vst v63  }
0x134: {  	s6 =	sadd.s32 $0x50, s16;
	s22 =	simm.s32 $0x7300  }
0x135: {  	[hbm4b:s6+s3] =	stream.linear.scatter [tilespmem:s22], [sflag:$0x2], $0x80, $0x38;
	[tilespmem:$0x8800] =	vst v63  }
0x136: {  	s23 =	sadd.s32 $0x60, s16;
	s24 =	simm.s32 $0x7500  }
0x137: {  	[hbm4b:s23+s3] =	stream.linear.scatter [tilespmem:s24], [sflag:$0x2], $0x80, $0x38;
	[tilespmem:$0x8800] =	vst v63  }
0x138: {  	s26 =	sadd.s32 $0x70, s16;
	s28 =	simm.s32 $0x7700  }
0x139: {  	[hbm4b:s26+s3] =	stream.linear.scatter [tilespmem:s28], [sflag:$0x2], $0x80, $0x38;
	[tilespmem:$0x8800] =	vst v63  }
0x13a: {  	s29 =	simm.s32 $0x6980  }
0x13b: {  	[hbm4b:s17+s3] =	stream.linear.scatter [tilespmem:s29], [sflag:$0x2], $0x80, $0x38;
	[tilespmem:$0x8800] =	vst v63  }
0x13c: {  	s1 =	sadd.s32 $0x10, s17;
	s4 =	simm.s32 $0x6B80  }
0x13d: {  	[hbm4b:s1+s3] =	stream.linear.scatter [tilespmem:s4], [sflag:$0x2], $0x80, $0x38;
	[tilespmem:$0x8800] =	vst v63  }
0x13e: {  	s5 =	sadd.s32 $0x20, s17;
	s6 =	simm.s32 $0x6D80  }
0x13f: {  	[hbm4b:s5+s3] =	stream.linear.scatter [tilespmem:s6], [sflag:$0x2], $0x80, $0x38;
	[tilespmem:$0x8800] =	vst v63  }
0x140: {  	s22 =	sadd.s32 $0x30, s17;
	s23 =	simm.s32 $0x6F80  }
0x141: {  	[hbm4b:s22+s3] =	stream.linear.scatter [tilespmem:s23], [sflag:$0x2], $0x80, $0x38;
	[tilespmem:$0x8800] =	vst v63  }
0x142: {  	s24 =	sadd.s32 $0x40, s17;
	s26 =	simm.s32 $0x7180  }
0x143: {  	[hbm4b:s24+s3] =	stream.linear.scatter [tilespmem:s26], [sflag:$0x2], $0x80, $0x38;
	[tilespmem:$0x8800] =	vst v63  }
0x144: {  	s28 =	sadd.s32 $0x50, s17;
	s29 =	simm.s32 $0x7380  }
0x145: {  	[hbm4b:s28+s3] =	stream.linear.scatter [tilespmem:s29], [sflag:$0x2], $0x80, $0x38;
	[tilespmem:$0x8800] =	vst v63  }
0x146: {  	s4 =	sadd.s32 $0x60, s17;
	s5 =	simm.s32 $0x7580  }
0x147: {  	[hbm4b:s4+s3] =	stream.linear.scatter [tilespmem:s5], [sflag:$0x2], $0x80, $0x38;
	[tilespmem:$0x8800] =	vst v63  }
0x148: {  	s6 =	sadd.s32 $0x70, s17;
	s22 =	simm.s32 $0x7780  }
0x149: {  	[hbm4b:s6+s3] =	stream.linear.scatter [tilespmem:s22], [sflag:$0x2], $0x80, $0x38;
	[tilespmem:$0x8800] =	vst v63  }
0x14a: {  	s23 =	simm.s32 $0x7800  }
0x14b: {  	[hbm4b:s18+s3] =	stream.linear.scatter [tilespmem:s23], [sflag:$0x2], $0x80, $0x38;
	[tilespmem:$0x8800] =	vst v63  }
0x14c: {  	s24 =	sadd.s32 $0x10, s18;
	s26 =	simm.s32 $0x7A00  }
0x14d: {  	[hbm4b:s24+s3] =	stream.linear.scatter [tilespmem:s26], [sflag:$0x2], $0x80, $0x38;
	[tilespmem:$0x8800] =	vst v63  }
0x14e: {  	s28 =	sadd.s32 $0x20, s18;
	s29 =	simm.s32 $0x7C00  }
0x14f: {  	[hbm4b:s28+s3] =	stream.linear.scatter [tilespmem:s29], [sflag:$0x2], $0x80, $0x38;
	[tilespmem:$0x8800] =	vst v63  }
0x150: {  	s1 =	sadd.s32 $0x30, s18;
	s4 =	simm.s32 $0x7E00  }
0x151: {  	[hbm4b:s1+s3] =	stream.linear.scatter [tilespmem:s4], [sflag:$0x2], $0x80, $0x38;
	[tilespmem:$0x8800] =	vst v63  }
0x152: {  	s5 =	sadd.s32 $0x40, s18;
	s6 =	simm.s32 $0x8000  }
0x153: {  	[hbm4b:s5+s3] =	stream.linear.scatter [tilespmem:s6], [sflag:$0x2], $0x80, $0x38;
	[tilespmem:$0x8800] =	vst v63  }
0x154: {  	s22 =	sadd.s32 $0x50, s18;
	s23 =	simm.s32 $0x8200  }
0x155: {  	[hbm4b:s22+s3] =	stream.linear.scatter [tilespmem:s23], [sflag:$0x2], $0x80, $0x38;
	[tilespmem:$0x8800] =	vst v63  }
0x156: {  	s24 =	sadd.s32 $0x60, s18;
	s26 =	simm.s32 $0x8400  }
0x157: {  	[hbm4b:s24+s3] =	stream.linear.scatter [tilespmem:s26], [sflag:$0x2], $0x80, $0x38;
	[tilespmem:$0x8800] =	vst v63  }
0x158: {  	s28 =	sadd.s32 $0x70, s18;
	s29 =	simm.s32 $0x8600  }
0x159: {  	[hbm4b:s28+s3] =	stream.linear.scatter [tilespmem:s29], [sflag:$0x2], $0x80, $0x38;
	[tilespmem:$0x8800] =	vst v63  }
0x15a: {  	s4 =	simm.s32 $0x7880  }
0x15b: {  	[hbm4b:s19+s3] =	stream.linear.scatter [tilespmem:s4], [sflag:$0x2], $0x80, $0x38;
	[tilespmem:$0x8800] =	vst v63  }
0x15c: {  	s5 =	sadd.s32 $0x10, s19;
	s6 =	simm.s32 $0x7A80  }
0x15d: {  	[hbm4b:s5+s3] =	stream.linear.scatter [tilespmem:s6], [sflag:$0x2], $0x80, $0x38;
	[tilespmem:$0x8800] =	vst v63  }
0x15e: {  	s22 =	sadd.s32 $0x20, s19;
	s23 =	simm.s32 $0x7C80  }
0x15f: {  	[hbm4b:s22+s3] =	stream.linear.scatter [tilespmem:s23], [sflag:$0x2], $0x80, $0x38;
	[tilespmem:$0x8800] =	vst v63  }
0x160: {  	s24 =	sadd.s32 $0x30, s19;
	s26 =	simm.s32 $0x7E80  }
0x161: {  	[hbm4b:s24+s3] =	stream.linear.scatter [tilespmem:s26], [sflag:$0x2], $0x80, $0x38;
	[tilespmem:$0x8800] =	vst v63  }
0x162: {  	s28 =	sadd.s32 $0x40, s19;
	s29 =	simm.s32 $0x8080  }
0x163: {  	[hbm4b:s28+s3] =	stream.linear.scatter [tilespmem:s29], [sflag:$0x2], $0x80, $0x38;
	[tilespmem:$0x8800] =	vst v63  }
0x164: {  	s4 =	sadd.s32 $0x50, s19;
	s5 =	simm.s32 $0x8280  }
0x165: {  	[hbm4b:s4+s3] =	stream.linear.scatter [tilespmem:s5], [sflag:$0x2], $0x80, $0x38;
	[tilespmem:$0x8800] =	vst v63  }
0x166: {  	s6 =	sadd.s32 $0x60, s19;
	s22 =	simm.s32 $0x8480  }
0x167: {  	[hbm4b:s6+s3] =	stream.linear.scatter [tilespmem:s22], [sflag:$0x2], $0x80, $0x38;
	[tilespmem:$0x8800] =	vst v63  }
0x168: {  	s23 =	sadd.s32 $0x70, s19;
	s24 =	simm.s32 $0x8680  }
0x169: {  	[hbm4b:s23+s3] =	stream.linear.scatter [tilespmem:s24], [sflag:$0x2], $0x80, $0x38;
	[tilespmem:$0x8800] =	vst v63  }
0x16a: {  	s26 =	simm.s32 $0x7900  }
0x16b: {  	[hbm4b:s20+s3] =	stream.linear.scatter [tilespmem:s26], [sflag:$0x2], $0x80, $0x38;
	[tilespmem:$0x8800] =	vst v63  }
0x16c: {  	s28 =	sadd.s32 $0x10, s20;
	s29 =	simm.s32 $0x7B00  }
0x16d: {  	[hbm4b:s28+s3] =	stream.linear.scatter [tilespmem:s29], [sflag:$0x2], $0x80, $0x38;
	[tilespmem:$0x8800] =	vst v63  }
0x16e: {  	s1 =	sadd.s32 $0x20, s20;
	s4 =	simm.s32 $0x7D00  }
0x16f: {  	[hbm4b:s1+s3] =	stream.linear.scatter [tilespmem:s4], [sflag:$0x2], $0x80, $0x38;
	[tilespmem:$0x8800] =	vst v63  }
0x170: {  	s5 =	sadd.s32 $0x30, s20;
	s6 =	simm.s32 $0x7F00  }
0x171: {  	[hbm4b:s5+s3] =	stream.linear.scatter [tilespmem:s6], [sflag:$0x2], $0x80, $0x38;
	[tilespmem:$0x8800] =	vst v63  }
0x172: {  	s22 =	sadd.s32 $0x40, s20;
	s23 =	simm.s32 $0x8100  }
0x173: {  	[hbm4b:s22+s3] =	stream.linear.scatter [tilespmem:s23], [sflag:$0x2], $0x80, $0x38;
	[tilespmem:$0x8800] =	vst v63  }
0x174: {  	s24 =	sadd.s32 $0x50, s20;
	s26 =	simm.s32 $0x8300  }
0x175: {  	[hbm4b:s24+s3] =	stream.linear.scatter [tilespmem:s26], [sflag:$0x2], $0x80, $0x38;
	[tilespmem:$0x8800] =	vst v63  }
0x176: {  	s28 =	sadd.s32 $0x60, s20;
	s29 =	simm.s32 $0x8500  }
0x177: {  	[hbm4b:s28+s3] =	stream.linear.scatter [tilespmem:s29], [sflag:$0x2], $0x80, $0x38;
	[tilespmem:$0x8800] =	vst v63  }
0x178: {  	s4 =	sadd.s32 $0x70, s20;
	s5 =	simm.s32 $0x8700  }
0x179: {  	[hbm4b:s4+s3] =	stream.linear.scatter [tilespmem:s5], [sflag:$0x2], $0x80, $0x38;
	[tilespmem:$0x8800] =	vst v63  }
0x17a: {  	s6 =	simm.s32 $0x7980  }
0x17b: {  	[hbm4b:s21+s3] =	stream.linear.scatter [tilespmem:s6], [sflag:$0x2], $0x80, $0x38;
	[tilespmem:$0x8800] =	vst v63  }
0x17c: {  	s22 =	sadd.s32 $0x10, s21;
	s23 =	simm.s32 $0x7B80  }
0x17d: {  	[hbm4b:s22+s3] =	stream.linear.scatter [tilespmem:s23], [sflag:$0x2], $0x80, $0x38;
	[tilespmem:$0x8800] =	vst v63  }
0x17e: {  	s24 =	sadd.s32 $0x20, s21;
	s26 =	simm.s32 $0x7D80  }
0x17f: {  	[hbm4b:s24+s3] =	stream.linear.scatter [tilespmem:s26], [sflag:$0x2], $0x80, $0x38;
	[tilespmem:$0x8800] =	vst v63  }
0x180: {  	s28 =	sadd.s32 $0x30, s21;
	s29 =	simm.s32 $0x7F80  }
0x181: {  	[hbm4b:s28+s3] =	stream.linear.scatter [tilespmem:s29], [sflag:$0x2], $0x80, $0x38;
	[tilespmem:$0x8800] =	vst v63  }
0x182: {  	s4 =	sadd.s32 $0x40, s21;
	s5 =	simm.s32 $0x8180  }
0x183: {  	[hbm4b:s4+s3] =	stream.linear.scatter [tilespmem:s5], [sflag:$0x2], $0x80, $0x38;
	[tilespmem:$0x8800] =	vst v63  }
0x184: {  	s6 =	sadd.s32 $0x50, s21;
	s22 =	simm.s32 $0x8380  }
0x185: {  	[hbm4b:s6+s3] =	stream.linear.scatter [tilespmem:s22], [sflag:$0x2], $0x80, $0x38;
	[tilespmem:$0x8800] =	vst v63  }
0x186: {  	s23 =	sadd.s32 $0x60, s21;
	s24 =	simm.s32 $0x8580  }
0x187: {  	[hbm4b:s23+s3] =	stream.linear.scatter [tilespmem:s24], [sflag:$0x2], $0x80, $0x38;
	[tilespmem:$0x8800] =	vst v63  }
0x188: {  	s26 =	sadd.s32 $0x70, s21;
	s28 =	simm.s32 $0x8780  }
0x189: {  	[hbm4b:s26+s3] =	stream.linear.scatter [tilespmem:s28], [sflag:$0x2], $0x80, $0x38;
	[tilespmem:$0x8800] =	vst v63  }
0x18a: {  	_ =	swait.ge [sflag:s30], $0x400  }
0x18b: {  	[sflag:s30] =	ssyncset.done $0x0  }
0x18c: {  	[sflag:s30] =	ssyncadd.s32 $0xFFFFFC00  }
0x18d: {  	_ =	swait.ge [sflag:s30], $0x400  }
0x18e: {  	[sflag:s30] =	ssyncset.done $0x0  }
0x18f: {  	[sflag:s30] =	ssyncadd.s32 $0xFFFFFC00  }
0x190: {  	_ =	swait.ge [sflag:s30], $0x400  }
0x191: {  	[sflag:s30] =	ssyncset.done $0x0  }
0x192: {  	[sflag:s30] =	ssyncadd.s32 $0xFFFFFC00  }
0x193: {  	_ =	swait.ge [sflag:s30], $0x400  }
0x194: {  	[sflag:s30] =	ssyncset.done $0x0  }
0x195: {  	[sflag:s30] =	ssyncadd.s32 $0xFFFFFC00  }
0x196: {  	_ =	swait.ge [sflag:s30], $0x400  }
0x197: {  	[sflag:s30] =	ssyncset.done $0x0  }
0x198: {  	[sflag:s30] =	ssyncadd.s32 $0xFFFFFC00  }
0x199: {  	_ =	swait.ge [sflag:s30], $0x400  }
0x19a: {  	[sflag:s30] =	ssyncset.done $0x0  }
0x19b: {  	[sflag:s30] =	ssyncadd.s32 $0xFFFFFC00  }
0x19c: {  	_ =	swait.ge [sflag:s30], $0x400  }
0x19d: {  	[sflag:s30] =	ssyncset.done $0x0  }
0x19e: {  	[sflag:s30] =	ssyncadd.s32 $0xFFFFFC00  }
0x19f: {  	_ =	swait.ge [sflag:s30], $0x400  }
0x1a0: {  	[sflag:s30] =	ssyncset.done $0x0  }
0x1a1: {  	[sflag:s30] =	ssyncadd.s32 $0xFFFFFC00  }
0x1a2: {  	_ =	swait.ge [sflag:s30], $0x400  }
0x1a3: {  	[sflag:s30] =	ssyncset.done $0x0  }
0x1a4: {  	[sflag:s30] =	ssyncadd.s32 $0xFFFFFC00  }
0x1a5: {  	_ =	swait.ge [sflag:s30], $0x400  }
0x1a6: {  	[sflag:s30] =	ssyncset.done $0x0  }
0x1a7: {  	[sflag:s30] =	ssyncadd.s32 $0xFFFFFC00  }
0x1a8: {  	_ =	swait.ge [sflag:s30], $0x400  }
0x1a9: {  	[sflag:s30] =	ssyncset.done $0x0  }
0x1aa: {  	[sflag:s30] =	ssyncadd.s32 $0xFFFFFC00  }
0x1ab: {  	_ =	swait.ge [sflag:s30], $0x400  }
0x1ac: {  	[sflag:s30] =	ssyncset.done $0x0  }
0x1ad: {  	[sflag:s30] =	ssyncadd.s32 $0xFFFFFC00  }
0x1ae: {  	_ =	swait.ge [sflag:s30], $0x400  }
0x1af: {  	[sflag:s30] =	ssyncset.done $0x0  }
0x1b0: {  	[sflag:s30] =	ssyncadd.s32 $0xFFFFFC00  }
0x1b1: {  	_ =	swait.ge [sflag:s30], $0x400  }
0x1b2: {  	[sflag:s30] =	ssyncset.done $0x0  }
0x1b3: {  	[sflag:s30] =	ssyncadd.s32 $0xFFFFFC00  }
0x1b4: {  	_ =	swait.ge [sflag:s30], $0x400  }
0x1b5: {  	[sflag:s30] =	ssyncset.done $0x0  }
0x1b6: {  	[sflag:s30] =	ssyncadd.s32 $0xFFFFFC00  }
0x1b7: {  	_ =	swait.ge [sflag:s30], $0x400  }
0x1b8: {  	s31 =	sadd.s32 $0x1, s31;
	s29 =	rddreg [dreg:$0x7]  }
0x1b9: {  	p0 =	sne.s32 s31, s29  }
.Ltmp2:
0x1ba: {  	_ = 	snop;
	(pc) =	sbr.rel @p0 .LBB2_1-.Ltmp2, $3  }
0x1bb: {  	_ =	sdelay $0x1  }
0x1bc: {  	[sflag:s30] =	ssyncset.done $0x0  }
0x1bd: {  	[sflag:s30] =	ssyncadd.s32 $0xFFFFFC00  }
0x1be: {  	_ =	sfence.sel $0x180000  }
0x1bf: {  	[bflag:$0x0] =	sbarrier.arrive $0xFFFF  }
0x1c0: {  	_ =	strace $0x90000047  }
0x1c1: {  	s0 =	stileid.u32;
	[bflag:$0x2] =	sbarrier.arrive $0xFFFF  }
0x1c2: {  	p0 =	sne.s32 s0, $0x0;
	s0 =	rddreg [dreg:$0x3]  }
0x1c3: {  	s0 =	sadd.s32 @!p0 $0x100000, s0  }
0x1c4: {  	[sflag:s0] =	ssyncadd.tile.s32 @!p0 $0x1;
	_ =	shalt  }
.Lfunc_end2:
_tile_overlayer_lowered:
.L_overlay_start_2:
0x1c5: {  	(tag) =	ssettag $0x2  }
0x1c6: {  	s0 =	rddreg [dreg:$0x0];
	s2 =	stileid.u32  }
0x1c7: {  	s1 =	rddreg [dreg:$0x1];
	p0 =	sne.s32 s2, $0x0  }
0x1c8: {  	s3 =	rddreg [dreg:$0x2];
	[bflag:$0x3] =	sbarrier.arrive $0xFFFF;
	s2 =	simm.s32 @!p0 $0x1C03  }
0x1c9: {  	[timem:s3], [sflag:s2] =	dma.local @!p0 [hbm:s0], s1  }
0x1ca: {  	s0 =	simm.s32 @!p0 $0x3  }
0x1cb: {  	_ =	swait.ge @!p0 [sflag:s0], s1  }
0x1cc: {  	s1 =	ssub.s32 @!p0 $0x0, s1;
	[sflag:s0] =	ssyncset.done @!p0 $0x0  }
0x1cd: {  	[sflag:s0] =	ssyncadd.s32 @!p0 s1  }
0x1ce: {  	[bflag:$0x3] =	sbarrier.arrive $0xFFFF  }
0x1cf: {  	_ =	shalt  }

</sc_bundles>
